<compile_context>
chip_gen: v7x
topology: tpu7x:2x2x1
jax: 0.10.2.dev20260603
libtpu: 0.0.44.dev20260713+nightly
codegen_flags: <defaults>
</compile_context>

<pallas_src>
import functools

import jax
import jax.numpy as jnp
from jax import lax
from jax.experimental import pallas as pl
from jax.experimental.pallas import tpu as pltpu
from jax.experimental.pallas import tpu_sc as plsc

N_NODES = 10000
N_EDGES = 320000
D_FEAT = 128

NC = 2
NS = 16
NW = NC * NS
CHK = 128
NROWS = N_EDGES // CHK
IB = 8
NBLK = 10
ROWS2D = NW * NBLK * IB
NPAD = 10240
RPT = NPAD // NS
BLK = 1024


def _sc_body(src2d, dst2d, hsrc_hbm, pacc_hbm, pdeg_hbm,
             sidx, didx, rows0, rows1, onesv, acc, deg,
             sem_g0, sem_g1, sem_a0, sem_a1, sem_d, sem_i, sem_i2):
    cid = lax.axis_index("c")
    sid = lax.axis_index("s")
    wid = cid * NS + sid
    rowsb = (rows0, rows1)
    sema = (sem_a0, sem_a1)
    semg = (sem_g0, sem_g1)
    row0 = wid * (NBLK * IB)
    HB = NBLK // 2 * IB

    pltpu.async_copy(src2d.at[pl.ds(row0, HB)], sidx, sem_i2)
    pltpu.async_copy(dst2d.at[pl.ds(row0, HB)], didx, sem_i2)

    def _zrow(r, _):
        for c in range(D_FEAT // 16):
            rows0[r, pl.ds(c * 16, 16)] = jnp.zeros((16,), jnp.float32)
        return 0
    lax.fori_loop(0, CHK, _zrow, 0)
    for c in range(CHK // 16):
        onesv[pl.ds(c * 16, 16)] = jnp.zeros((16,), jnp.float32)

    base_r = sid * RPT
    for j in range(RPT // CHK):
        pltpu.async_copy(rows0, acc.at[pl.ds(base_r + j * CHK, CHK)], sem_i)
        pltpu.async_copy(onesv, deg.at[pl.ds(base_r + j * CHK, CHK)], sem_i)
    for j in range(RPT // CHK):
        pltpu.make_async_copy(rows0, acc.at[pl.ds(base_r + j * CHK, CHK)],
                              sem_i).wait()
        pltpu.make_async_copy(onesv, deg.at[pl.ds(base_r + j * CHK, CHK)],
                              sem_i).wait()
    for c in range(CHK // 16):
        onesv[pl.ds(c * 16, 16)] = jnp.ones((16,), jnp.float32)
    plsc.subcore_barrier()

    def _block(blk, _):
        g0 = row0 + blk * IB
        sub = lax.rem(blk, NBLK // 2)
        lr0 = sub * IB
        half_g0 = g0 - lr0

        @pl.when((sub == 0) & (blk > 0))
        def _loadidx():
            pltpu.sync_copy(src2d.at[pl.ds(g0, HB)], sidx)
            pltpu.sync_copy(dst2d.at[pl.ds(g0, HB)], didx)

        @pl.when((sub == 0) & (blk == 0))
        def _waitidx():
            pltpu.make_async_copy(src2d.at[pl.ds(row0, HB)], sidx,
                                  sem_i2).wait()
            pltpu.make_async_copy(dst2d.at[pl.ds(row0, HB)], didx,
                                  sem_i2).wait()

        @pl.when((sub == 0) & (g0 < NROWS))
        def _prime():
            pltpu.async_copy(hsrc_hbm.at[sidx.at[lr0]], rows0, sem_g0)

        for j in range(IB):
            b = j % 2
            rb = rowsb[b]
            sg = semg[b]
            if j == 0:
                @pl.when((sub > 0) & (g0 - 1 < NROWS))
                def _drain0():
                    pltpu.make_async_copy(rowsb[1], acc.at[didx.at[lr0 - 1]],
                                          sema[1]).wait()
            else:
                @pl.when(g0 + j - 1 < NROWS)
                def _drain(j=j, rb2=rowsb[(j - 1) % 2],
                           sa=sema[(j - 1) % 2]):
                    pltpu.make_async_copy(rb2, acc.at[didx.at[lr0 + j - 1]],
                                          sa).wait()
            if j < IB - 1:
                @pl.when(g0 + j + 1 < NROWS)
                def _ahead(j=j, rb2=rowsb[(j + 1) % 2],
                           sg2=semg[(j + 1) % 2]):
                    pltpu.async_copy(hsrc_hbm.at[sidx.at[lr0 + j + 1]],
                                     rb2, sg2)
            else:
                @pl.when((sub < NBLK // 2 - 1) & (g0 + IB < NROWS))
                def _ahead_x():
                    pltpu.async_copy(hsrc_hbm.at[sidx.at[lr0 + IB]],
                                     rows0, sem_g0)
            @pl.when(g0 + j < NROWS)
            def _work(j=j, b=b, rb=rb, sg=sg):
                pltpu.make_async_copy(hsrc_hbm.at[sidx.at[lr0 + j]], rb,
                                      sg).wait()
                pltpu.async_copy(rb, acc.at[didx.at[lr0 + j]], sema[b],
                                 add=True)
                pltpu.async_copy(onesv, deg.at[didx.at[lr0 + j]], sem_d,
                                 add=True)

        @pl.when(sub == NBLK // 2 - 1)
        def _flush():
            @pl.when(g0 + IB - 1 < NROWS)
            def _flush_acc():
                pltpu.make_async_copy(rowsb[(IB - 1) % 2],
                                      acc.at[didx.at[lr0 + IB - 1]],
                                      sema[(IB - 1) % 2]).wait()
            for lr in range(HB):
                @pl.when(half_g0 + lr < NROWS)
                def _flush_deg(lr=lr):
                    pltpu.make_async_copy(onesv, deg.at[didx.at[lr]],
                                          sem_d).wait()
        return 0
    lax.fori_loop(0, NBLK, _block, 0)

    plsc.subcore_barrier()

    pltpu.async_copy(acc.at[pl.ds(base_r, RPT)],
                     pacc_hbm.at[cid, pl.ds(base_r, RPT)], sem_i)
    pltpu.async_copy(deg.at[pl.ds(base_r, RPT)],
                     pdeg_hbm.at[cid, pl.ds(base_r, RPT)], sem_i2)
    pltpu.make_async_copy(acc.at[pl.ds(base_r, RPT)],
                          pacc_hbm.at[cid, pl.ds(base_r, RPT)], sem_i).wait()
    pltpu.make_async_copy(deg.at[pl.ds(base_r, RPT)],
                          pdeg_hbm.at[cid, pl.ds(base_r, RPT)],
                          sem_i2).wait()


_sc_agg = functools.partial(
    pl.kernel,
    out_type=[
        jax.ShapeDtypeStruct((NC, NPAD, D_FEAT), jnp.float32),
        jax.ShapeDtypeStruct((NC, NPAD), jnp.float32),
    ],
    mesh=plsc.VectorSubcoreMesh(core_axis_name="c", subcore_axis_name="s"),
    scratch_types=[
        pltpu.VMEM((NBLK // 2 * IB, CHK), jnp.int32),
        pltpu.VMEM((NBLK // 2 * IB, CHK), jnp.int32),
        pltpu.VMEM((CHK, D_FEAT), jnp.float32),
        pltpu.VMEM((CHK, D_FEAT), jnp.float32),
        pltpu.VMEM((CHK,), jnp.float32),
        pltpu.VMEM_SHARED((NPAD, D_FEAT), jnp.float32),
        pltpu.VMEM_SHARED((NPAD,), jnp.float32),
        pltpu.SemaphoreType.DMA,
        pltpu.SemaphoreType.DMA,
        pltpu.SemaphoreType.DMA,
        pltpu.SemaphoreType.DMA,
        pltpu.SemaphoreType.DMA,
        pltpu.SemaphoreType.DMA,
        pltpu.SemaphoreType.DMA,
    ],
)(_sc_body)


def _merge_body(p_ref, d_ref, hdst_ref, out_ref):
    p = p_ref[0] + p_ref[1]
    degc = d_ref[0] + d_ref[1]
    out_ref[...] = (p + hdst_ref[...]) / (degc + 1.0)[:, None]


def _tc_merge(p, d, h_dst_pad):
    grid = NPAD // BLK
    return pl.pallas_call(
        _merge_body,
        grid=(grid,),
        in_specs=[
            pl.BlockSpec((NC, BLK, D_FEAT), lambda i: (0, i, 0)),
            pl.BlockSpec((NC, BLK), lambda i: (0, i)),
            pl.BlockSpec((BLK, D_FEAT), lambda i: (i, 0)),
        ],
        out_specs=pl.BlockSpec((BLK, D_FEAT), lambda i: (i, 0)),
        out_shape=jax.ShapeDtypeStruct((NPAD, D_FEAT), jnp.float32),
    )(p, d, h_dst_pad)


@jax.jit
def kernel(h_src, h_dst, edge_index):
    e2d = jnp.pad(edge_index, ((0, 0), (0, ROWS2D * CHK - N_EDGES)))
    e2d = e2d.reshape(2, ROWS2D, CHK)
    p, d = _sc_agg(e2d[0], e2d[1], h_src)
    h_dst_pad = jnp.pad(h_dst, ((0, NPAD - N_NODES), (0, 0)))
    out = _tc_merge(p, d, h_dst_pad)
    return out[:N_NODES]

# --- scband reference (transcript-rebuilt; emitter-appended) ---
"""Pipeline reference for scband-metapath-context-encoder-37452114821486 (READ-ONLY COPY).

The authoritative reference and input builder live on the scoring server;
editing this copy changes nothing except your own understanding.
"""

import jax, jax.numpy as jnp
import numpy as np

N_NODES = 10000
N_EDGES = 320000
D_FEAT = 128


def setup_inputs(seed: int = 0) -> dict:
    key = jax.random.key(seed)
    k1, k2, k3 = jax.random.split(key, 3)
    h_src = jax.random.normal(k1, (N_NODES, D_FEAT), dtype=jnp.float32)
    h_dst = jax.random.normal(k2, (N_NODES, D_FEAT), dtype=jnp.float32)
    edge_index = jax.random.randint(k3, (2, N_EDGES), 0, N_NODES, dtype=jnp.int32)
    return {"h_src": h_src, "h_dst": h_dst, "edge_index": edge_index}


def reference(h_src, h_dst, edge_index):
    # MetapathContextEncoder with encoder_type='mean', flattened over the
    # (single) metapath edge type of the DGL block.
    # funcs[mp] = (fn.copy_u('h_src','m'), fn.sum('m','h_neigh'))
    # num_neigh = in_degrees
    # out = (h_neigh + h_dst) / (num_neigh + 1).unsqueeze(-1)
    src = edge_index[0]
    dst = edge_index[1]
    n_dst = h_dst.shape[0]
    # gather source features along edges (copy_u)
    m = jnp.take(h_src, src, axis=0)
    # scatter-add into destination nodes (fn.sum reduce)
    h_neigh = jax.ops.segment_sum(m, dst, num_segments=n_dst)
    # in-degrees
    num_neigh = jax.ops.segment_sum(
        jnp.ones((src.shape[0],), dtype=h_src.dtype), dst, num_segments=n_dst
    )
    h_dst_out = (h_neigh + h_dst) / (num_neigh + 1.0)[:, None]
    return h_dst_out

if __name__ == "__main__":
    import jax
    _d = setup_inputs()
    print(jax.jit(kernel)(*tuple(_d.values())))

</pallas_src>

<mosaic_0001>
#map = affine_map<(d0, d1) -> (0, 0)>
#map1 = affine_map<(d0, d1) -> (0, 0, 0)>
module attributes {stable_mosaic.version = 14 : i64} {
  func.func @_sc_body(%arg0: i32, %arg1: i32, %arg2: memref<2560x128xi32, #tpu.memory_space<hbm>>, %arg3: memref<2560x128xi32, #tpu.memory_space<hbm>>, %arg4: memref<10000x128xf32, #tpu.memory_space<hbm>>, %arg5: memref<2x10240x128xf32, #tpu.memory_space<hbm>>, %arg6: memref<2x10240xf32, #tpu.memory_space<hbm>>, %arg7: memref<40x128xi32, #tpu.memory_space<vmem>>, %arg8: memref<40x128xi32, #tpu.memory_space<vmem>>, %arg9: memref<128x128xf32, #tpu.memory_space<vmem>>, %arg10: memref<128x128xf32, #tpu.memory_space<vmem>>, %arg11: memref<128xf32, #tpu.memory_space<vmem>>, %arg12: memref<10240x128xf32, #tpu.memory_space<vmem_shared>>, %arg13: memref<10240xf32, #tpu.memory_space<vmem_shared>>, %arg14: memref<!tpu.dma_semaphore, #tpu.memory_space<semaphore_mem>>, %arg15: memref<!tpu.dma_semaphore, #tpu.memory_space<semaphore_mem>>, %arg16: memref<!tpu.dma_semaphore, #tpu.memory_space<semaphore_mem>>, %arg17: memref<!tpu.dma_semaphore, #tpu.memory_space<semaphore_mem>>, %arg18: memref<!tpu.dma_semaphore, #tpu.memory_space<semaphore_mem>>, %arg19: memref<!tpu.dma_semaphore, #tpu.memory_space<semaphore_mem>>, %arg20: memref<!tpu.dma_semaphore, #tpu.memory_space<semaphore_mem>>) attributes {dimension_semantics = [#tpu.dimension_semantics<core_parallel>, #tpu.dimension_semantics<subcore_parallel>], iteration_bounds = array<i64: 2, 16>, scalar_prefetch = 0 : i64, scratch_operands = 14 : i64, tpu.core_type = #tpu.core_type<sc_vector_subcore>, window_params = [{transform_indices = #map}, {transform_indices = #map}, {transform_indices = #map}, {transform_indices = #map1}, {transform_indices = #map}]} {
    %mul3A = arith.constant 16 : i32
    %mul3A_0 = arith.muli %arg0, %mul3A : i32
    %add3A = arith.addi %mul3A_0, %arg1 : i32
    %mul3A_1 = arith.constant 80 : i32
    %mul3A_2 = arith.muli %add3A, %mul3A_1 : i32
    %dma_start3A = arith.constant 0 : i32
    %dma_start3A_3 = tpu.memref_slice %arg2[%mul3A_2, %dma_start3A] : memref<2560x128xi32, #tpu.memory_space<hbm>> -> memref<40x128xi32, #tpu.memory_space<hbm>>
    %dma_start3A_4 = arith.constant 0 : i32
    %dma_start3A_5 = tpu.memref_slice %arg2[%mul3A_2, %dma_start3A_4] : memref<2560x128xi32, #tpu.memory_space<hbm>> -> memref<40x128xi32, #tpu.memory_space<hbm>>
    tpu.enqueue_dma source(%dma_start3A_5 : memref<40x128xi32, #tpu.memory_space<hbm>>) target(%arg7 : memref<40x128xi32, #tpu.memory_space<vmem>>) target_semaphore(%arg20 : memref<!tpu.dma_semaphore, #tpu.memory_space<semaphore_mem>>)
    %dma_start3A_6 = arith.constant 0 : i32
    %dma_start3A_7 = tpu.memref_slice %arg3[%mul3A_2, %dma_start3A_6] : memref<2560x128xi32, #tpu.memory_space<hbm>> -> memref<40x128xi32, #tpu.memory_space<hbm>>
    %dma_start3A_8 = arith.constant 0 : i32
    %dma_start3A_9 = tpu.memref_slice %arg3[%mul3A_2, %dma_start3A_8] : memref<2560x128xi32, #tpu.memory_space<hbm>> -> memref<40x128xi32, #tpu.memory_space<hbm>>
    tpu.enqueue_dma source(%dma_start3A_9 : memref<40x128xi32, #tpu.memory_space<hbm>>) target(%arg8 : memref<40x128xi32, #tpu.memory_space<vmem>>) target_semaphore(%arg20 : memref<!tpu.dma_semaphore, #tpu.memory_space<semaphore_mem>>)
    %scan3A = arith.constant 0 : i32
    %scan3A_10 = arith.constant 0 : i32
    %scan3A_11 = arith.constant 128 : i32
    %scan3A_12 = arith.addi %scan3A_10, %scan3A_11 : i32
    %scan3A_13 = arith.constant 1 : i32
    %scan3A_14 = scf.for %scan3A_235 = %scan3A_10 to %scan3A_12 step %scan3A_13 iter_args(%scan3A_236 = %scan3A) -> (i32)  : i32 {
      %broadcast_in_dim3A_237 = arith.constant 0.000000e+00 : f32
      %broadcast_in_dim3A_238 = vector.broadcast %broadcast_in_dim3A_237 : f32 to vector<16xf32>
      %swap3A_239 = arith.index_cast %scan3A_235 : i32 to index
      %swap3A_240 = arith.constant 0 : index
      %swap3A_241 = tpu.vector_load %arg9[%swap3A_239, %swap3A_240] {strides = array<i32>} : memref<128x128xf32, #tpu.memory_space<vmem>>, vector<1x16xf32>,
      %swap3A_242 = vector.shape_cast %swap3A_241 : vector<1x16xf32> to vector<16xf32>
      %swap3A_243 = vector.shape_cast %broadcast_in_dim3A_238 : vector<16xf32> to vector<1x16xf32>
      tpu.vector_store %arg9[%swap3A_239, %swap3A_240], %swap3A_243 {strides = array<i32>} : memref<128x128xf32, #tpu.memory_space<vmem>>, vector<1x16xf32>,
      %broadcast_in_dim3A_244 = arith.constant 0.000000e+00 : f32
      %broadcast_in_dim3A_245 = vector.broadcast %broadcast_in_dim3A_244 : f32 to vector<16xf32>
      %swap3A_246 = arith.index_cast %scan3A_235 : i32 to index
      %swap3A_247 = arith.constant 16 : index
      %swap3A_248 = tpu.vector_load %arg9[%swap3A_246, %swap3A_247] {strides = array<i32>} : memref<128x128xf32, #tpu.memory_space<vmem>>, vector<1x16xf32>,
      %swap3A_249 = vector.shape_cast %swap3A_248 : vector<1x16xf32> to vector<16xf32>
      %swap3A_250 = vector.shape_cast %broadcast_in_dim3A_245 : vector<16xf32> to vector<1x16xf32>
      tpu.vector_store %arg9[%swap3A_246, %swap3A_247], %swap3A_250 {strides = array<i32>} : memref<128x128xf32, #tpu.memory_space<vmem>>, vector<1x16xf32>,
      %broadcast_in_dim3A_251 = arith.constant 0.000000e+00 : f32
      %broadcast_in_dim3A_252 = vector.broadcast %broadcast_in_dim3A_251 : f32 to vector<16xf32>
      %swap3A_253 = arith.index_cast %scan3A_235 : i32 to index
      %swap3A_254 = arith.constant 32 : index
      %swap3A_255 = tpu.vector_load %arg9[%swap3A_253, %swap3A_254] {strides = array<i32>} : memref<128x128xf32, #tpu.memory_space<vmem>>, vector<1x16xf32>,
      %swap3A_256 = vector.shape_cast %swap3A_255 : vector<1x16xf32> to vector<16xf32>
      %swap3A_257 = vector.shape_cast %broadcast_in_dim3A_252 : vector<16xf32> to vector<1x16xf32>
      tpu.vector_store %arg9[%swap3A_253, %swap3A_254], %swap3A_257 {strides = array<i32>} : memref<128x128xf32, #tpu.memory_space<vmem>>, vector<1x16xf32>,
      %broadcast_in_dim3A_258 = arith.constant 0.000000e+00 : f32
      %broadcast_in_dim3A_259 = vector.broadcast %broadcast_in_dim3A_258 : f32 to vector<16xf32>
      %swap3A_260 = arith.index_cast %scan3A_235 : i32 to index
      %swap3A_261 = arith.constant 48 : index
      %swap3A_262 = tpu.vector_load %arg9[%swap3A_260, %swap3A_261] {strides = array<i32>} : memref<128x128xf32, #tpu.memory_space<vmem>>, vector<1x16xf32>,
      %swap3A_263 = vector.shape_cast %swap3A_262 : vector<1x16xf32> to vector<16xf32>
      %swap3A_264 = vector.shape_cast %broadcast_in_dim3A_259 : vector<16xf32> to vector<1x16xf32>
      tpu.vector_store %arg9[%swap3A_260, %swap3A_261], %swap3A_264 {strides = array<i32>} : memref<128x128xf32, #tpu.memory_space<vmem>>, vector<1x16xf32>,
      %broadcast_in_dim3A_265 = arith.constant 0.000000e+00 : f32
      %broadcast_in_dim3A_266 = vector.broadcast %broadcast_in_dim3A_265 : f32 to vector<16xf32>
      %swap3A_267 = arith.index_cast %scan3A_235 : i32 to index
      %swap3A_268 = arith.constant 64 : index
      %swap3A_269 = tpu.vector_load %arg9[%swap3A_267, %swap3A_268] {strides = array<i32>} : memref<128x128xf32, #tpu.memory_space<vmem>>, vector<1x16xf32>,
      %swap3A_270 = vector.shape_cast %swap3A_269 : vector<1x16xf32> to vector<16xf32>
      %swap3A_271 = vector.shape_cast %broadcast_in_dim3A_266 : vector<16xf32> to vector<1x16xf32>
      tpu.vector_store %arg9[%swap3A_267, %swap3A_268], %swap3A_271 {strides = array<i32>} : memref<128x128xf32, #tpu.memory_space<vmem>>, vector<1x16xf32>,
      %broadcast_in_dim3A_272 = arith.constant 0.000000e+00 : f32
      %broadcast_in_dim3A_273 = vector.broadcast %broadcast_in_dim3A_272 : f32 to vector<16xf32>
      %swap3A_274 = arith.index_cast %scan3A_235 : i32 to index
      %swap3A_275 = arith.constant 80 : index
      %swap3A_276 = tpu.vector_load %arg9[%swap3A_274, %swap3A_275] {strides = array<i32>} : memref<128x128xf32, #tpu.memory_space<vmem>>, vector<1x16xf32>,
      %swap3A_277 = vector.shape_cast %swap3A_276 : vector<1x16xf32> to vector<16xf32>
      %swap3A_278 = vector.shape_cast %broadcast_in_dim3A_273 : vector<16xf32> to vector<1x16xf32>
      tpu.vector_store %arg9[%swap3A_274, %swap3A_275], %swap3A_278 {strides = array<i32>} : memref<128x128xf32, #tpu.memory_space<vmem>>, vector<1x16xf32>,
      %broadcast_in_dim3A_279 = arith.constant 0.000000e+00 : f32
      %broadcast_in_dim3A_280 = vector.broadcast %broadcast_in_dim3A_279 : f32 to vector<16xf32>
      %swap3A_281 = arith.index_cast %scan3A_235 : i32 to index
      %swap3A_282 = arith.constant 96 : index
      %swap3A_283 = tpu.vector_load %arg9[%swap3A_281, %swap3A_282] {strides = array<i32>} : memref<128x128xf32, #tpu.memory_space<vmem>>, vector<1x16xf32>,
      %swap3A_284 = vector.shape_cast %swap3A_283 : vector<1x16xf32> to vector<16xf32>
      %swap3A_285 = vector.shape_cast %broadcast_in_dim3A_280 : vector<16xf32> to vector<1x16xf32>
      tpu.vector_store %arg9[%swap3A_281, %swap3A_282], %swap3A_285 {strides = array<i32>} : memref<128x128xf32, #tpu.memory_space<vmem>>, vector<1x16xf32>,
      %broadcast_in_dim3A_286 = arith.constant 0.000000e+00 : f32
      %broadcast_in_dim3A_287 = vector.broadcast %broadcast_in_dim3A_286 : f32 to vector<16xf32>
      %swap3A_288 = arith.index_cast %scan3A_235 : i32 to index
      %swap3A_289 = arith.constant 112 : index
      %swap3A_290 = tpu.vector_load %arg9[%swap3A_288, %swap3A_289] {strides = array<i32>} : memref<128x128xf32, #tpu.memory_space<vmem>>, vector<1x16xf32>,
      %swap3A_291 = vector.shape_cast %swap3A_290 : vector<1x16xf32> to vector<16xf32>
      %swap3A_292 = vector.shape_cast %broadcast_in_dim3A_287 : vector<16xf32> to vector<1x16xf32>
      tpu.vector_store %arg9[%swap3A_288, %swap3A_289], %swap3A_292 {strides = array<i32>} : memref<128x128xf32, #tpu.memory_space<vmem>>, vector<1x16xf32>,
      %scan3A_293 = arith.constant 0 : i32
      scf.yield %scan3A_293 : i32
    }
    %scan3A_15 = arith.constant 128 : i32
    %broadcast_in_dim3A = arith.constant 0.000000e+00 : f32
    %broadcast_in_dim3A_16 = vector.broadcast %broadcast_in_dim3A : f32 to vector<16xf32>
    %swap3A = arith.constant 0 : index
    %swap3A_17 = tpu.vector_load %arg11[%swap3A] {strides = array<i32>} : memref<128xf32, #tpu.memory_space<vmem>>, vector<16xf32>,
    %swap3A_18 = vector.shape_cast %swap3A_17 : vector<16xf32> to vector<16xf32>
    %swap3A_19 = vector.shape_cast %broadcast_in_dim3A_16 : vector<16xf32> to vector<16xf32>
    tpu.vector_store %arg11[%swap3A], %swap3A_19 {strides = array<i32>} : memref<128xf32, #tpu.memory_space<vmem>>, vector<16xf32>,
    %broadcast_in_dim3A_20 = arith.constant 0.000000e+00 : f32
    %broadcast_in_dim3A_21 = vector.broadcast %broadcast_in_dim3A_20 : f32 to vector<16xf32>
    %swap3A_22 = arith.constant 16 : index
    %swap3A_23 = tpu.vector_load %arg11[%swap3A_22] {strides = array<i32>} : memref<128xf32, #tpu.memory_space<vmem>>, vector<16xf32>,
    %swap3A_24 = vector.shape_cast %swap3A_23 : vector<16xf32> to vector<16xf32>
    %swap3A_25 = vector.shape_cast %broadcast_in_dim3A_21 : vector<16xf32> to vector<16xf32>
    tpu.vector_store %arg11[%swap3A_22], %swap3A_25 {strides = array<i32>} : memref<128xf32, #tpu.memory_space<vmem>>, vector<16xf32>,
    %broadcast_in_dim3A_26 = arith.constant 0.000000e+00 : f32
    %broadcast_in_dim3A_27 = vector.broadcast %broadcast_in_dim3A_26 : f32 to vector<16xf32>
    %swap3A_28 = arith.constant 32 : index
    %swap3A_29 = tpu.vector_load %arg11[%swap3A_28] {strides = array<i32>} : memref<128xf32, #tpu.memory_space<vmem>>, vector<16xf32>,
    %swap3A_30 = vector.shape_cast %swap3A_29 : vector<16xf32> to vector<16xf32>
    %swap3A_31 = vector.shape_cast %broadcast_in_dim3A_27 : vector<16xf32> to vector<16xf32>
    tpu.vector_store %arg11[%swap3A_28], %swap3A_31 {strides = array<i32>} : memref<128xf32, #tpu.memory_space<vmem>>, vector<16xf32>,
    %broadcast_in_dim3A_32 = arith.constant 0.000000e+00 : f32
    %broadcast_in_dim3A_33 = vector.broadcast %broadcast_in_dim3A_32 : f32 to vector<16xf32>
    %swap3A_34 = arith.constant 48 : index
    %swap3A_35 = tpu.vector_load %arg11[%swap3A_34] {strides = array<i32>} : memref<128xf32, #tpu.memory_space<vmem>>, vector<16xf32>,
    %swap3A_36 = vector.shape_cast %swap3A_35 : vector<16xf32> to vector<16xf32>
    %swap3A_37 = vector.shape_cast %broadcast_in_dim3A_33 : vector<16xf32> to vector<16xf32>
    tpu.vector_store %arg11[%swap3A_34], %swap3A_37 {strides = array<i32>} : memref<128xf32, #tpu.memory_space<vmem>>, vector<16xf32>,
    %broadcast_in_dim3A_38 = arith.constant 0.000000e+00 : f32
    %broadcast_in_dim3A_39 = vector.broadcast %broadcast_in_dim3A_38 : f32 to vector<16xf32>
    %swap3A_40 = arith.constant 64 : index
    %swap3A_41 = tpu.vector_load %arg11[%swap3A_40] {strides = array<i32>} : memref<128xf32, #tpu.memory_space<vmem>>, vector<16xf32>,
    %swap3A_42 = vector.shape_cast %swap3A_41 : vector<16xf32> to vector<16xf32>
    %swap3A_43 = vector.shape_cast %broadcast_in_dim3A_39 : vector<16xf32> to vector<16xf32>
    tpu.vector_store %arg11[%swap3A_40], %swap3A_43 {strides = array<i32>} : memref<128xf32, #tpu.memory_space<vmem>>, vector<16xf32>,
    %broadcast_in_dim3A_44 = arith.constant 0.000000e+00 : f32
    %broadcast_in_dim3A_45 = vector.broadcast %broadcast_in_dim3A_44 : f32 to vector<16xf32>
    %swap3A_46 = arith.constant 80 : index
    %swap3A_47 = tpu.vector_load %arg11[%swap3A_46] {strides = array<i32>} : memref<128xf32, #tpu.memory_space<vmem>>, vector<16xf32>,
    %swap3A_48 = vector.shape_cast %swap3A_47 : vector<16xf32> to vector<16xf32>
    %swap3A_49 = vector.shape_cast %broadcast_in_dim3A_45 : vector<16xf32> to vector<16xf32>
    tpu.vector_store %arg11[%swap3A_46], %swap3A_49 {strides = array<i32>} : memref<128xf32, #tpu.memory_space<vmem>>, vector<16xf32>,
    %broadcast_in_dim3A_50 = arith.constant 0.000000e+00 : f32
    %broadcast_in_dim3A_51 = vector.broadcast %broadcast_in_dim3A_50 : f32 to vector<16xf32>
    %swap3A_52 = arith.constant 96 : index
    %swap3A_53 = tpu.vector_load %arg11[%swap3A_52] {strides = array<i32>} : memref<128xf32, #tpu.memory_space<vmem>>, vector<16xf32>,
    %swap3A_54 = vector.shape_cast %swap3A_53 : vector<16xf32> to vector<16xf32>
    %swap3A_55 = vector.shape_cast %broadcast_in_dim3A_51 : vector<16xf32> to vector<16xf32>
    tpu.vector_store %arg11[%swap3A_52], %swap3A_55 {strides = array<i32>} : memref<128xf32, #tpu.memory_space<vmem>>, vector<16xf32>,
    %broadcast_in_dim3A_56 = arith.constant 0.000000e+00 : f32
    %broadcast_in_dim3A_57 = vector.broadcast %broadcast_in_dim3A_56 : f32 to vector<16xf32>
    %swap3A_58 = arith.constant 112 : index
    %swap3A_59 = tpu.vector_load %arg11[%swap3A_58] {strides = array<i32>} : memref<128xf32, #tpu.memory_space<vmem>>, vector<16xf32>,
    %swap3A_60 = vector.shape_cast %swap3A_59 : vector<16xf32> to vector<16xf32>
    %swap3A_61 = vector.shape_cast %broadcast_in_dim3A_57 : vector<16xf32> to vector<16xf32>
    tpu.vector_store %arg11[%swap3A_58], %swap3A_61 {strides = array<i32>} : memref<128xf32, #tpu.memory_space<vmem>>, vector<16xf32>,
    %mul3A_62 = arith.constant 640 : i32
    %mul3A_63 = arith.muli %arg1, %mul3A_62 : i32
    %add3A_64 = arith.constant 0 : i32
    %add3A_65 = arith.addi %mul3A_63, %add3A_64 : i32
    %dma_start3A_66 = arith.constant 0 : i32
    %dma_start3A_67 = tpu.memref_slice %arg12[%add3A_65, %dma_start3A_66] : memref<10240x128xf32, #tpu.memory_space<vmem_shared>> -> memref<128x128xf32, #tpu.memory_space<vmem_shared>>
    %dma_start3A_68 = arith.constant 0 : i32
    %dma_start3A_69 = tpu.memref_slice %arg12[%add3A_65, %dma_start3A_68] : memref<10240x128xf32, #tpu.memory_space<vmem_shared>> -> memref<128x128xf32, #tpu.memory_space<vmem_shared>>
    tpu.enqueue_dma source(%arg9 : memref<128x128xf32, #tpu.memory_space<vmem>>) target(%dma_start3A_69 : memref<128x128xf32, #tpu.memory_space<vmem_shared>>) target_semaphore(%arg19 : memref<!tpu.dma_semaphore, #tpu.memory_space<semaphore_mem>>)
    %add3A_70 = arith.constant 0 : i32
    %add3A_71 = arith.addi %mul3A_63, %add3A_70 : i32
    %dma_start3A_72 = tpu.memref_slice %arg13[%add3A_71] : memref<10240xf32, #tpu.memory_space<vmem_shared>> -> memref<128xf32, #tpu.memory_space<vmem_shared>>
    %dma_start3A_73 = tpu.memref_slice %arg13[%add3A_71] : memref<10240xf32, #tpu.memory_space<vmem_shared>> -> memref<128xf32, #tpu.memory_space<vmem_shared>>
    tpu.enqueue_dma source(%arg11 : memref<128xf32, #tpu.memory_space<vmem>>) target(%dma_start3A_73 : memref<128xf32, #tpu.memory_space<vmem_shared>>) target_semaphore(%arg19 : memref<!tpu.dma_semaphore, #tpu.memory_space<semaphore_mem>>)
    %add3A_74 = arith.constant 128 : i32
    %add3A_75 = arith.addi %mul3A_63, %add3A_74 : i32
    %dma_start3A_76 = arith.constant 0 : i32
    %dma_start3A_77 = tpu.memref_slice %arg12[%add3A_75, %dma_start3A_76] : memref<10240x128xf32, #tpu.memory_space<vmem_shared>> -> memref<128x128xf32, #tpu.memory_space<vmem_shared>>
    %dma_start3A_78 = arith.constant 0 : i32
    %dma_start3A_79 = tpu.memref_slice %arg12[%add3A_75, %dma_start3A_78] : memref<10240x128xf32, #tpu.memory_space<vmem_shared>> -> memref<128x128xf32, #tpu.memory_space<vmem_shared>>
    tpu.enqueue_dma source(%arg9 : memref<128x128xf32, #tpu.memory_space<vmem>>) target(%dma_start3A_79 : memref<128x128xf32, #tpu.memory_space<vmem_shared>>) target_semaphore(%arg19 : memref<!tpu.dma_semaphore, #tpu.memory_space<semaphore_mem>>)
    %add3A_80 = arith.constant 128 : i32
    %add3A_81 = arith.addi %mul3A_63, %add3A_80 : i32
    %dma_start3A_82 = tpu.memref_slice %arg13[%add3A_81] : memref<10240xf32, #tpu.memory_space<vmem_shared>> -> memref<128xf32, #tpu.memory_space<vmem_shared>>
    %dma_start3A_83 = tpu.memref_slice %arg13[%add3A_81] : memref<10240xf32, #tpu.memory_space<vmem_shared>> -> memref<128xf32, #tpu.memory_space<vmem_shared>>
    tpu.enqueue_dma source(%arg11 : memref<128xf32, #tpu.memory_space<vmem>>) target(%dma_start3A_83 : memref<128xf32, #tpu.memory_space<vmem_shared>>) target_semaphore(%arg19 : memref<!tpu.dma_semaphore, #tpu.memory_space<semaphore_mem>>)
    %add3A_84 = arith.constant 256 : i32
    %add3A_85 = arith.addi %mul3A_63, %add3A_84 : i32
    %dma_start3A_86 = arith.constant 0 : i32
    %dma_start3A_87 = tpu.memref_slice %arg12[%add3A_85, %dma_start3A_86] : memref<10240x128xf32, #tpu.memory_space<vmem_shared>> -> memref<128x128xf32, #tpu.memory_space<vmem_shared>>
    %dma_start3A_88 = arith.constant 0 : i32
    %dma_start3A_89 = tpu.memref_slice %arg12[%add3A_85, %dma_start3A_88] : memref<10240x128xf32, #tpu.memory_space<vmem_shared>> -> memref<128x128xf32, #tpu.memory_space<vmem_shared>>
    tpu.enqueue_dma source(%arg9 : memref<128x128xf32, #tpu.memory_space<vmem>>) target(%dma_start3A_89 : memref<128x128xf32, #tpu.memory_space<vmem_shared>>) target_semaphore(%arg19 : memref<!tpu.dma_semaphore, #tpu.memory_space<semaphore_mem>>)
    %add3A_90 = arith.constant 256 : i32
    %add3A_91 = arith.addi %mul3A_63, %add3A_90 : i32
    %dma_start3A_92 = tpu.memref_slice %arg13[%add3A_91] : memref<10240xf32, #tpu.memory_space<vmem_shared>> -> memref<128xf32, #tpu.memory_space<vmem_shared>>
    %dma_start3A_93 = tpu.memref_slice %arg13[%add3A_91] : memref<10240xf32, #tpu.memory_space<vmem_shared>> -> memref<128xf32, #tpu.memory_space<vmem_shared>>
    tpu.enqueue_dma source(%arg11 : memref<128xf32, #tpu.memory_space<vmem>>) target(%dma_start3A_93 : memref<128xf32, #tpu.memory_space<vmem_shared>>) target_semaphore(%arg19 : memref<!tpu.dma_semaphore, #tpu.memory_space<semaphore_mem>>)
    %add3A_94 = arith.constant 384 : i32
    %add3A_95 = arith.addi %mul3A_63, %add3A_94 : i32
    %dma_start3A_96 = arith.constant 0 : i32
    %dma_start3A_97 = tpu.memref_slice %arg12[%add3A_95, %dma_start3A_96] : memref<10240x128xf32, #tpu.memory_space<vmem_shared>> -> memref<128x128xf32, #tpu.memory_space<vmem_shared>>
    %dma_start3A_98 = arith.constant 0 : i32
    %dma_start3A_99 = tpu.memref_slice %arg12[%add3A_95, %dma_start3A_98] : memref<10240x128xf32, #tpu.memory_space<vmem_shared>> -> memref<128x128xf32, #tpu.memory_space<vmem_shared>>
    tpu.enqueue_dma source(%arg9 : memref<128x128xf32, #tpu.memory_space<vmem>>) target(%dma_start3A_99 : memref<128x128xf32, #tpu.memory_space<vmem_shared>>) target_semaphore(%arg19 : memref<!tpu.dma_semaphore, #tpu.memory_space<semaphore_mem>>)
    %add3A_100 = arith.constant 384 : i32
    %add3A_101 = arith.addi %mul3A_63, %add3A_100 : i32
    %dma_start3A_102 = tpu.memref_slice %arg13[%add3A_101] : memref<10240xf32, #tpu.memory_space<vmem_shared>> -> memref<128xf32, #tpu.memory_space<vmem_shared>>
    %dma_start3A_103 = tpu.memref_slice %arg13[%add3A_101] : memref<10240xf32, #tpu.memory_space<vmem_shared>> -> memref<128xf32, #tpu.memory_space<vmem_shared>>
    tpu.enqueue_dma source(%arg11 : memref<128xf32, #tpu.memory_space<vmem>>) target(%dma_start3A_103 : memref<128xf32, #tpu.memory_space<vmem_shared>>) target_semaphore(%arg19 : memref<!tpu.dma_semaphore, #tpu.memory_space<semaphore_mem>>)
    %add3A_104 = arith.constant 512 : i32
    %add3A_105 = arith.addi %mul3A_63, %add3A_104 : i32
    %dma_start3A_106 = arith.constant 0 : i32
    %dma_start3A_107 = tpu.memref_slice %arg12[%add3A_105, %dma_start3A_106] : memref<10240x128xf32, #tpu.memory_space<vmem_shared>> -> memref<128x128xf32, #tpu.memory_space<vmem_shared>>
    %dma_start3A_108 = arith.constant 0 : i32
    %dma_start3A_109 = tpu.memref_slice %arg12[%add3A_105, %dma_start3A_108] : memref<10240x128xf32, #tpu.memory_space<vmem_shared>> -> memref<128x128xf32, #tpu.memory_space<vmem_shared>>
    tpu.enqueue_dma source(%arg9 : memref<128x128xf32, #tpu.memory_space<vmem>>) target(%dma_start3A_109 : memref<128x128xf32, #tpu.memory_space<vmem_shared>>) target_semaphore(%arg19 : memref<!tpu.dma_semaphore, #tpu.memory_space<semaphore_mem>>)
    %add3A_110 = arith.constant 512 : i32
    %add3A_111 = arith.addi %mul3A_63, %add3A_110 : i32
    %dma_start3A_112 = tpu.memref_slice %arg13[%add3A_111] : memref<10240xf32, #tpu.memory_space<vmem_shared>> -> memref<128xf32, #tpu.memory_space<vmem_shared>>
    %dma_start3A_113 = tpu.memref_slice %arg13[%add3A_111] : memref<10240xf32, #tpu.memory_space<vmem_shared>> -> memref<128xf32, #tpu.memory_space<vmem_shared>>
    tpu.enqueue_dma source(%arg11 : memref<128xf32, #tpu.memory_space<vmem>>) target(%dma_start3A_113 : memref<128xf32, #tpu.memory_space<vmem_shared>>) target_semaphore(%arg19 : memref<!tpu.dma_semaphore, #tpu.memory_space<semaphore_mem>>)
    %add3A_114 = arith.constant 0 : i32
    %add3A_115 = arith.addi %mul3A_63, %add3A_114 : i32
    %dma_wait3A = arith.constant 0 : i32
    %dma_wait3A_116 = tpu.memref_slice %arg12[%add3A_115, %dma_wait3A] : memref<10240x128xf32, #tpu.memory_space<vmem_shared>> -> memref<128x128xf32, #tpu.memory_space<vmem_shared>>
    %dma_wait3A_117 = arith.constant 0 : i32
    %dma_wait3A_118 = tpu.memref_slice %arg12[%add3A_115, %dma_wait3A_117] : memref<10240x128xf32, #tpu.memory_space<vmem_shared>> -> memref<128x128xf32, #tpu.memory_space<vmem_shared>>
    tpu.wait_dma2 semaphore(%arg19 : memref<!tpu.dma_semaphore, #tpu.memory_space<semaphore_mem>>) src(%arg9 : memref<128x128xf32, #tpu.memory_space<vmem>>) dst(%dma_wait3A_118 : memref<128x128xf32, #tpu.memory_space<vmem_shared>>)
    %add3A_119 = arith.constant 0 : i32
    %add3A_120 = arith.addi %mul3A_63, %add3A_119 : i32
    %dma_wait3A_121 = tpu.memref_slice %arg13[%add3A_120] : memref<10240xf32, #tpu.memory_space<vmem_shared>> -> memref<128xf32, #tpu.memory_space<vmem_shared>>
    %dma_wait3A_122 = tpu.memref_slice %arg13[%add3A_120] : memref<10240xf32, #tpu.memory_space<vmem_shared>> -> memref<128xf32, #tpu.memory_space<vmem_shared>>
    tpu.wait_dma2 semaphore(%arg19 : memref<!tpu.dma_semaphore, #tpu.memory_space<semaphore_mem>>) src(%arg11 : memref<128xf32, #tpu.memory_space<vmem>>) dst(%dma_wait3A_122 : memref<128xf32, #tpu.memory_space<vmem_shared>>)
    %add3A_123 = arith.constant 128 : i32
    %add3A_124 = arith.addi %mul3A_63, %add3A_123 : i32
    %dma_wait3A_125 = arith.constant 0 : i32
    %dma_wait3A_126 = tpu.memref_slice %arg12[%add3A_124, %dma_wait3A_125] : memref<10240x128xf32, #tpu.memory_space<vmem_shared>> -> memref<128x128xf32, #tpu.memory_space<vmem_shared>>
    %dma_wait3A_127 = arith.constant 0 : i32
    %dma_wait3A_128 = tpu.memref_slice %arg12[%add3A_124, %dma_wait3A_127] : memref<10240x128xf32, #tpu.memory_space<vmem_shared>> -> memref<128x128xf32, #tpu.memory_space<vmem_shared>>
    tpu.wait_dma2 semaphore(%arg19 : memref<!tpu.dma_semaphore, #tpu.memory_space<semaphore_mem>>) src(%arg9 : memref<128x128xf32, #tpu.memory_space<vmem>>) dst(%dma_wait3A_128 : memref<128x128xf32, #tpu.memory_space<vmem_shared>>)
    %add3A_129 = arith.constant 128 : i32
    %add3A_130 = arith.addi %mul3A_63, %add3A_129 : i32
    %dma_wait3A_131 = tpu.memref_slice %arg13[%add3A_130] : memref<10240xf32, #tpu.memory_space<vmem_shared>> -> memref<128xf32, #tpu.memory_space<vmem_shared>>
    %dma_wait3A_132 = tpu.memref_slice %arg13[%add3A_130] : memref<10240xf32, #tpu.memory_space<vmem_shared>> -> memref<128xf32, #tpu.memory_space<vmem_shared>>
    tpu.wait_dma2 semaphore(%arg19 : memref<!tpu.dma_semaphore, #tpu.memory_space<semaphore_mem>>) src(%arg11 : memref<128xf32, #tpu.memory_space<vmem>>) dst(%dma_wait3A_132 : memref<128xf32, #tpu.memory_space<vmem_shared>>)
    %add3A_133 = arith.constant 256 : i32
    %add3A_134 = arith.addi %mul3A_63, %add3A_133 : i32
    %dma_wait3A_135 = arith.constant 0 : i32
    %dma_wait3A_136 = tpu.memref_slice %arg12[%add3A_134, %dma_wait3A_135] : memref<10240x128xf32, #tpu.memory_space<vmem_shared>> -> memref<128x128xf32, #tpu.memory_space<vmem_shared>>
    %dma_wait3A_137 = arith.constant 0 : i32
    %dma_wait3A_138 = tpu.memref_slice %arg12[%add3A_134, %dma_wait3A_137] : memref<10240x128xf32, #tpu.memory_space<vmem_shared>> -> memref<128x128xf32, #tpu.memory_space<vmem_shared>>
    tpu.wait_dma2 semaphore(%arg19 : memref<!tpu.dma_semaphore, #tpu.memory_space<semaphore_mem>>) src(%arg9 : memref<128x128xf32, #tpu.memory_space<vmem>>) dst(%dma_wait3A_138 : memref<128x128xf32, #tpu.memory_space<vmem_shared>>)
    %add3A_139 = arith.constant 256 : i32
    %add3A_140 = arith.addi %mul3A_63, %add3A_139 : i32
    %dma_wait3A_141 = tpu.memref_slice %arg13[%add3A_140] : memref<10240xf32, #tpu.memory_space<vmem_shared>> -> memref<128xf32, #tpu.memory_space<vmem_shared>>
    %dma_wait3A_142 = tpu.memref_slice %arg13[%add3A_140] : memref<10240xf32, #tpu.memory_space<vmem_shared>> -> memref<128xf32, #tpu.memory_space<vmem_shared>>
    tpu.wait_dma2 semaphore(%arg19 : memref<!tpu.dma_semaphore, #tpu.memory_space<semaphore_mem>>) src(%arg11 : memref<128xf32, #tpu.memory_space<vmem>>) dst(%dma_wait3A_142 : memref<128xf32, #tpu.memory_space<vmem_shared>>)
    %add3A_143 = arith.constant 384 : i32
    %add3A_144 = arith.addi %mul3A_63, %add3A_143 : i32
    %dma_wait3A_145 = arith.constant 0 : i32
    %dma_wait3A_146 = tpu.memref_slice %arg12[%add3A_144, %dma_wait3A_145] : memref<10240x128xf32, #tpu.memory_space<vmem_shared>> -> memref<128x128xf32, #tpu.memory_space<vmem_shared>>
    %dma_wait3A_147 = arith.constant 0 : i32
    %dma_wait3A_148 = tpu.memref_slice %arg12[%add3A_144, %dma_wait3A_147] : memref<10240x128xf32, #tpu.memory_space<vmem_shared>> -> memref<128x128xf32, #tpu.memory_space<vmem_shared>>
    tpu.wait_dma2 semaphore(%arg19 : memref<!tpu.dma_semaphore, #tpu.memory_space<semaphore_mem>>) src(%arg9 : memref<128x128xf32, #tpu.memory_space<vmem>>) dst(%dma_wait3A_148 : memref<128x128xf32, #tpu.memory_space<vmem_shared>>)
    %add3A_149 = arith.constant 384 : i32
    %add3A_150 = arith.addi %mul3A_63, %add3A_149 : i32
    %dma_wait3A_151 = tpu.memref_slice %arg13[%add3A_150] : memref<10240xf32, #tpu.memory_space<vmem_shared>> -> memref<128xf32, #tpu.memory_space<vmem_shared>>
    %dma_wait3A_152 = tpu.memref_slice %arg13[%add3A_150] : memref<10240xf32, #tpu.memory_space<vmem_shared>> -> memref<128xf32, #tpu.memory_space<vmem_shared>>
    tpu.wait_dma2 semaphore(%arg19 : memref<!tpu.dma_semaphore, #tpu.memory_space<semaphore_mem>>) src(%arg11 : memref<128xf32, #tpu.memory_space<vmem>>) dst(%dma_wait3A_152 : memref<128xf32, #tpu.memory_space<vmem_shared>>)
    %add3A_153 = arith.constant 512 : i32
    %add3A_154 = arith.addi %mul3A_63, %add3A_153 : i32
    %dma_wait3A_155 = arith.constant 0 : i32
    %dma_wait3A_156 = tpu.memref_slice %arg12[%add3A_154, %dma_wait3A_155] : memref<10240x128xf32, #tpu.memory_space<vmem_shared>> -> memref<128x128xf32, #tpu.memory_space<vmem_shared>>
    %dma_wait3A_157 = arith.constant 0 : i32
    %dma_wait3A_158 = tpu.memref_slice %arg12[%add3A_154, %dma_wait3A_157] : memref<10240x128xf32, #tpu.memory_space<vmem_shared>> -> memref<128x128xf32, #tpu.memory_space<vmem_shared>>
    tpu.wait_dma2 semaphore(%arg19 : memref<!tpu.dma_semaphore, #tpu.memory_space<semaphore_mem>>) src(%arg9 : memref<128x128xf32, #tpu.memory_space<vmem>>) dst(%dma_wait3A_158 : memref<128x128xf32, #tpu.memory_space<vmem_shared>>)
    %add3A_159 = arith.constant 512 : i32
    %add3A_160 = arith.addi %mul3A_63, %add3A_159 : i32
    %dma_wait3A_161 = tpu.memref_slice %arg13[%add3A_160] : memref<10240xf32, #tpu.memory_space<vmem_shared>> -> memref<128xf32, #tpu.memory_space<vmem_shared>>
    %dma_wait3A_162 = tpu.memref_slice %arg13[%add3A_160] : memref<10240xf32, #tpu.memory_space<vmem_shared>> -> memref<128xf32, #tpu.memory_space<vmem_shared>>
    tpu.wait_dma2 semaphore(%arg19 : memref<!tpu.dma_semaphore, #tpu.memory_space<semaphore_mem>>) src(%arg11 : memref<128xf32, #tpu.memory_space<vmem>>) dst(%dma_wait3A_162 : memref<128xf32, #tpu.memory_space<vmem_shared>>)
    %broadcast_in_dim3A_163 = arith.constant 1.000000e+00 : f32
    %broadcast_in_dim3A_164 = vector.broadcast %broadcast_in_dim3A_163 : f32 to vector<16xf32>
    %swap3A_165 = arith.constant 0 : index
    %swap3A_166 = tpu.vector_load %arg11[%swap3A_165] {strides = array<i32>} : memref<128xf32, #tpu.memory_space<vmem>>, vector<16xf32>,
    %swap3A_167 = vector.shape_cast %swap3A_166 : vector<16xf32> to vector<16xf32>
    %swap3A_168 = vector.shape_cast %broadcast_in_dim3A_164 : vector<16xf32> to vector<16xf32>
    tpu.vector_store %arg11[%swap3A_165], %swap3A_168 {strides = array<i32>} : memref<128xf32, #tpu.memory_space<vmem>>, vector<16xf32>,
    %broadcast_in_dim3A_169 = arith.constant 1.000000e+00 : f32
    %broadcast_in_dim3A_170 = vector.broadcast %broadcast_in_dim3A_169 : f32 to vector<16xf32>
    %swap3A_171 = arith.constant 16 : index
    %swap3A_172 = tpu.vector_load %arg11[%swap3A_171] {strides = array<i32>} : memref<128xf32, #tpu.memory_space<vmem>>, vector<16xf32>,
    %swap3A_173 = vector.shape_cast %swap3A_172 : vector<16xf32> to vector<16xf32>
    %swap3A_174 = vector.shape_cast %broadcast_in_dim3A_170 : vector<16xf32> to vector<16xf32>
    tpu.vector_store %arg11[%swap3A_171], %swap3A_174 {strides = array<i32>} : memref<128xf32, #tpu.memory_space<vmem>>, vector<16xf32>,
    %broadcast_in_dim3A_175 = arith.constant 1.000000e+00 : f32
    %broadcast_in_dim3A_176 = vector.broadcast %broadcast_in_dim3A_175 : f32 to vector<16xf32>
    %swap3A_177 = arith.constant 32 : index
    %swap3A_178 = tpu.vector_load %arg11[%swap3A_177] {strides = array<i32>} : memref<128xf32, #tpu.memory_space<vmem>>, vector<16xf32>,
    %swap3A_179 = vector.shape_cast %swap3A_178 : vector<16xf32> to vector<16xf32>
    %swap3A_180 = vector.shape_cast %broadcast_in_dim3A_176 : vector<16xf32> to vector<16xf32>
    tpu.vector_store %arg11[%swap3A_177], %swap3A_180 {strides = array<i32>} : memref<128xf32, #tpu.memory_space<vmem>>, vector<16xf32>,
    %broadcast_in_dim3A_181 = arith.constant 1.000000e+00 : f32
    %broadcast_in_dim3A_182 = vector.broadcast %broadcast_in_dim3A_181 : f32 to vector<16xf32>
    %swap3A_183 = arith.constant 48 : index
    %swap3A_184 = tpu.vector_load %arg11[%swap3A_183] {strides = array<i32>} : memref<128xf32, #tpu.memory_space<vmem>>, vector<16xf32>,
    %swap3A_185 = vector.shape_cast %swap3A_184 : vector<16xf32> to vector<16xf32>
    %swap3A_186 = vector.shape_cast %broadcast_in_dim3A_182 : vector<16xf32> to vector<16xf32>
    tpu.vector_store %arg11[%swap3A_183], %swap3A_186 {strides = array<i32>} : memref<128xf32, #tpu.memory_space<vmem>>, vector<16xf32>,
    %broadcast_in_dim3A_187 = arith.constant 1.000000e+00 : f32
    %broadcast_in_dim3A_188 = vector.broadcast %broadcast_in_dim3A_187 : f32 to vector<16xf32>
    %swap3A_189 = arith.constant 64 : index
    %swap3A_190 = tpu.vector_load %arg11[%swap3A_189] {strides = array<i32>} : memref<128xf32, #tpu.memory_space<vmem>>, vector<16xf32>,
    %swap3A_191 = vector.shape_cast %swap3A_190 : vector<16xf32> to vector<16xf32>
    %swap3A_192 = vector.shape_cast %broadcast_in_dim3A_188 : vector<16xf32> to vector<16xf32>
    tpu.vector_store %arg11[%swap3A_189], %swap3A_192 {strides = array<i32>} : memref<128xf32, #tpu.memory_space<vmem>>, vector<16xf32>,
    %broadcast_in_dim3A_193 = arith.constant 1.000000e+00 : f32
    %broadcast_in_dim3A_194 = vector.broadcast %broadcast_in_dim3A_193 : f32 to vector<16xf32>
    %swap3A_195 = arith.constant 80 : index
    %swap3A_196 = tpu.vector_load %arg11[%swap3A_195] {strides = array<i32>} : memref<128xf32, #tpu.memory_space<vmem>>, vector<16xf32>,
    %swap3A_197 = vector.shape_cast %swap3A_196 : vector<16xf32> to vector<16xf32>
    %swap3A_198 = vector.shape_cast %broadcast_in_dim3A_194 : vector<16xf32> to vector<16xf32>
    tpu.vector_store %arg11[%swap3A_195], %swap3A_198 {strides = array<i32>} : memref<128xf32, #tpu.memory_space<vmem>>, vector<16xf32>,
    %broadcast_in_dim3A_199 = arith.constant 1.000000e+00 : f32
    %broadcast_in_dim3A_200 = vector.broadcast %broadcast_in_dim3A_199 : f32 to vector<16xf32>
    %swap3A_201 = arith.constant 96 : index
    %swap3A_202 = tpu.vector_load %arg11[%swap3A_201] {strides = array<i32>} : memref<128xf32, #tpu.memory_space<vmem>>, vector<16xf32>,
    %swap3A_203 = vector.shape_cast %swap3A_202 : vector<16xf32> to vector<16xf32>
    %swap3A_204 = vector.shape_cast %broadcast_in_dim3A_200 : vector<16xf32> to vector<16xf32>
    tpu.vector_store %arg11[%swap3A_201], %swap3A_204 {strides = array<i32>} : memref<128xf32, #tpu.memory_space<vmem>>, vector<16xf32>,
    %broadcast_in_dim3A_205 = arith.constant 1.000000e+00 : f32
    %broadcast_in_dim3A_206 = vector.broadcast %broadcast_in_dim3A_205 : f32 to vector<16xf32>
    %swap3A_207 = arith.constant 112 : index
    %swap3A_208 = tpu.vector_load %arg11[%swap3A_207] {strides = array<i32>} : memref<128xf32, #tpu.memory_space<vmem>>, vector<16xf32>,
    %swap3A_209 = vector.shape_cast %swap3A_208 : vector<16xf32> to vector<16xf32>
    %swap3A_210 = vector.shape_cast %broadcast_in_dim3A_206 : vector<16xf32> to vector<16xf32>
    tpu.vector_store %arg11[%swap3A_207], %swap3A_210 {strides = array<i32>} : memref<128xf32, #tpu.memory_space<vmem>>, vector<16xf32>,
    %barrier3A = arith.constant 0 : index
    tpu.barrier barrier_id(%barrier3A)
    %scan3A_211 = arith.constant 0 : i32
    %scan3A_212 = arith.constant 0 : i32
    %scan3A_213 = arith.constant 10 : i32
    %scan3A_214 = arith.addi %scan3A_212, %scan3A_213 : i32
    %scan3A_215 = arith.constant 1 : i32
    %scan3A_216 = scf.for %scan3A_235 = %scan3A_212 to %scan3A_214 step %scan3A_215 iter_args(%scan3A_236 = %scan3A_211) -> (i32)  : i32 {
      %mul3A_237 = arith.constant 8 : i32
      %mul3A_238 = arith.muli %scan3A_235, %mul3A_237 : i32
      %add3A_239 = arith.addi %mul3A_2, %mul3A_238 : i32
      %rem3A = arith.constant 5 : i32
      %rem3A_240 = arith.remsi %scan3A_235, %rem3A : i32
      %mul3A_241 = arith.constant 8 : i32
      %mul3A_242 = arith.muli %rem3A_240, %mul3A_241 : i32
      %sub3A = arith.subi %add3A_239, %mul3A_242 : i32
      %eq3A = arith.constant 0 : i32
      %eq3A_243 = arith.cmpi eq, %rem3A_240, %eq3A : i32
      %gt3A = arith.constant 0 : i32
      %gt3A_244 = arith.cmpi sgt, %scan3A_235, %gt3A : i32
      %and3A = arith.andi %eq3A_243, %gt3A_244 : i1
      %convert_element_type3A = arith.extui %and3A : i1 to i32
      %cond3A = arith.constant 0 : i32
      %cond3A_245 = arith.cmpi ne, %convert_element_type3A, %cond3A : i32
      scf.if %cond3A_245 {
        "tpu.region"() ({
          %run_scoped3A = tpu.sem_alloc : memref<!tpu.dma_semaphore, #tpu.memory_space<semaphore_mem>>
          %dma_start3A_469 = arith.constant 0 : i32
          %dma_start3A_470 = tpu.memref_slice %arg2[%add3A_239, %dma_start3A_469] : memref<2560x128xi32, #tpu.memory_space<hbm>> -> memref<40x128xi32, #tpu.memory_space<hbm>>
          %dma_start3A_471 = arith.constant 0 : i32
          %dma_start3A_472 = tpu.memref_slice %arg2[%add3A_239, %dma_start3A_471] : memref<2560x128xi32, #tpu.memory_space<hbm>> -> memref<40x128xi32, #tpu.memory_space<hbm>>
          tpu.enqueue_dma source(%dma_start3A_472 : memref<40x128xi32, #tpu.memory_space<hbm>>) target(%arg7 : memref<40x128xi32, #tpu.memory_space<vmem>>) target_semaphore(%run_scoped3A : memref<!tpu.dma_semaphore, #tpu.memory_space<semaphore_mem>>)
          %dma_wait3A_473 = arith.constant 0 : i32
          %dma_wait3A_474 = tpu.memref_slice %arg2[%add3A_239, %dma_wait3A_473] : memref<2560x128xi32, #tpu.memory_space<hbm>> -> memref<40x128xi32, #tpu.memory_space<hbm>>
          %dma_wait3A_475 = arith.constant 0 : i32
          %dma_wait3A_476 = tpu.memref_slice %arg2[%add3A_239, %dma_wait3A_475] : memref<2560x128xi32, #tpu.memory_space<hbm>> -> memref<40x128xi32, #tpu.memory_space<hbm>>
          tpu.wait_dma2 semaphore(%run_scoped3A : memref<!tpu.dma_semaphore, #tpu.memory_space<semaphore_mem>>) src(%dma_wait3A_476 : memref<40x128xi32, #tpu.memory_space<hbm>>) dst(%arg7 : memref<40x128xi32, #tpu.memory_space<vmem>>)
          tpu.yield
        }) : () -> ()
        "tpu.region"() ({
          %run_scoped3A = tpu.sem_alloc : memref<!tpu.dma_semaphore, #tpu.memory_space<semaphore_mem>>
          %dma_start3A_469 = arith.constant 0 : i32
          %dma_start3A_470 = tpu.memref_slice %arg3[%add3A_239, %dma_start3A_469] : memref<2560x128xi32, #tpu.memory_space<hbm>> -> memref<40x128xi32, #tpu.memory_space<hbm>>
          %dma_start3A_471 = arith.constant 0 : i32
          %dma_start3A_472 = tpu.memref_slice %arg3[%add3A_239, %dma_start3A_471] : memref<2560x128xi32, #tpu.memory_space<hbm>> -> memref<40x128xi32, #tpu.memory_space<hbm>>
          tpu.enqueue_dma source(%dma_start3A_472 : memref<40x128xi32, #tpu.memory_space<hbm>>) target(%arg8 : memref<40x128xi32, #tpu.memory_space<vmem>>) target_semaphore(%run_scoped3A : memref<!tpu.dma_semaphore, #tpu.memory_space<semaphore_mem>>)
          %dma_wait3A_473 = arith.constant 0 : i32
          %dma_wait3A_474 = tpu.memref_slice %arg3[%add3A_239, %dma_wait3A_473] : memref<2560x128xi32, #tpu.memory_space<hbm>> -> memref<40x128xi32, #tpu.memory_space<hbm>>
          %dma_wait3A_475 = arith.constant 0 : i32
          %dma_wait3A_476 = tpu.memref_slice %arg3[%add3A_239, %dma_wait3A_475] : memref<2560x128xi32, #tpu.memory_space<hbm>> -> memref<40x128xi32, #tpu.memory_space<hbm>>
          tpu.wait_dma2 semaphore(%run_scoped3A : memref<!tpu.dma_semaphore, #tpu.memory_space<semaphore_mem>>) src(%dma_wait3A_476 : memref<40x128xi32, #tpu.memory_space<hbm>>) dst(%arg8 : memref<40x128xi32, #tpu.memory_space<vmem>>)
          tpu.yield
        }) : () -> ()
      } else {
      }
      %eq3A_246 = arith.constant 0 : i32
      %eq3A_247 = arith.cmpi eq, %rem3A_240, %eq3A_246 : i32
      %eq3A_248 = arith.constant 0 : i32
      %eq3A_249 = arith.cmpi eq, %scan3A_235, %eq3A_248 : i32
      %and3A_250 = arith.andi %eq3A_247, %eq3A_249 : i1
      %convert_element_type3A_251 = arith.extui %and3A_250 : i1 to i32
      %cond3A_252 = arith.constant 0 : i32
      %cond3A_253 = arith.cmpi ne, %convert_element_type3A_251, %cond3A_252 : i32
      scf.if %cond3A_253 {
        %dma_wait3A_469 = arith.constant 0 : i32
        %dma_wait3A_470 = tpu.memref_slice %arg2[%mul3A_2, %dma_wait3A_469] : memref<2560x128xi32, #tpu.memory_space<hbm>> -> memref<40x128xi32, #tpu.memory_space<hbm>>
        %dma_wait3A_471 = arith.constant 0 : i32
        %dma_wait3A_472 = tpu.memref_slice %arg2[%mul3A_2, %dma_wait3A_471] : memref<2560x128xi32, #tpu.memory_space<hbm>> -> memref<40x128xi32, #tpu.memory_space<hbm>>
        tpu.wait_dma2 semaphore(%arg20 : memref<!tpu.dma_semaphore, #tpu.memory_space<semaphore_mem>>) src(%dma_wait3A_472 : memref<40x128xi32, #tpu.memory_space<hbm>>) dst(%arg7 : memref<40x128xi32, #tpu.memory_space<vmem>>)
        %dma_wait3A_473 = arith.constant 0 : i32
        %dma_wait3A_474 = tpu.memref_slice %arg3[%mul3A_2, %dma_wait3A_473] : memref<2560x128xi32, #tpu.memory_space<hbm>> -> memref<40x128xi32, #tpu.memory_space<hbm>>
        %dma_wait3A_475 = arith.constant 0 : i32
        %dma_wait3A_476 = tpu.memref_slice %arg3[%mul3A_2, %dma_wait3A_475] : memref<2560x128xi32, #tpu.memory_space<hbm>> -> memref<40x128xi32, #tpu.memory_space<hbm>>
        tpu.wait_dma2 semaphore(%arg20 : memref<!tpu.dma_semaphore, #tpu.memory_space<semaphore_mem>>) src(%dma_wait3A_476 : memref<40x128xi32, #tpu.memory_space<hbm>>) dst(%arg8 : memref<40x128xi32, #tpu.memory_space<vmem>>)
      } else {
      }
      %eq3A_254 = arith.constant 0 : i32
      %eq3A_255 = arith.cmpi eq, %rem3A_240, %eq3A_254 : i32
      %lt3A = arith.constant 2500 : i32
      %lt3A_256 = arith.cmpi slt, %add3A_239, %lt3A : i32
      %and3A_257 = arith.andi %eq3A_255, %lt3A_256 : i1
      %convert_element_type3A_258 = arith.extui %and3A_257 : i1 to i32
      %cond3A_259 = arith.constant 0 : i32
      %cond3A_260 = arith.cmpi ne, %convert_element_type3A_258, %cond3A_259 : i32
      scf.if %cond3A_260 {
        %dma_start3A_469 = arith.constant 0 : i32
        %dma_start3A_470 = tpu.memref_slice %arg7[%mul3A_242, %dma_start3A_469] : memref<40x128xi32, #tpu.memory_space<vmem>> -> memref<1x128xi32, #tpu.memory_space<vmem>>
        %dma_start3A_471 = tpu.memref_squeeze %dma_start3A_470 : memref<1x128xi32, #tpu.memory_space<vmem>> -> memref<128xi32, #tpu.memory_space<vmem>>
        %dma_start3A_472 = arith.constant 0 : i32
        %dma_start3A_473 = arith.constant 0 : i32
        %dma_start3A_474 = tpu.memref_slice %arg4[%dma_start3A_472, %dma_start3A_473] : memref<10000x128xf32, #tpu.memory_space<hbm>> -> memref<10000x128xf32, #tpu.memory_space<hbm>>
        tpu.enqueue_indirect_dma source(%dma_start3A_474 : memref<10000x128xf32, #tpu.memory_space<hbm>>) target(%arg9 : memref<128x128xf32, #tpu.memory_space<vmem>>) offsets(%dma_start3A_471 : memref<128xi32, #tpu.memory_space<vmem>>) semaphore(%arg14 : memref<!tpu.dma_semaphore, #tpu.memory_space<semaphore_mem>>)
      } else {
      }
      %gt3A_261 = arith.constant 0 : i32
      %gt3A_262 = arith.cmpi sgt, %rem3A_240, %gt3A_261 : i32
      %sub3A_263 = arith.constant 1 : i32
      %sub3A_264 = arith.subi %add3A_239, %sub3A_263 : i32
      %lt3A_265 = arith.constant 2500 : i32
      %lt3A_266 = arith.cmpi slt, %sub3A_264, %lt3A_265 : i32
      %and3A_267 = arith.andi %gt3A_262, %lt3A_266 : i1
      %convert_element_type3A_268 = arith.extui %and3A_267 : i1 to i32
      %cond3A_269 = arith.constant 0 : i32
      %cond3A_270 = arith.cmpi ne, %convert_element_type3A_268, %cond3A_269 : i32
      scf.if %cond3A_270 {
        %sub3A_469 = arith.constant 1 : i32
        %sub3A_470 = arith.subi %mul3A_242, %sub3A_469 : i32
        %dma_wait3A_471 = arith.constant 0 : i32
        %dma_wait3A_472 = tpu.memref_slice %arg8[%sub3A_470, %dma_wait3A_471] : memref<40x128xi32, #tpu.memory_space<vmem>> -> memref<1x128xi32, #tpu.memory_space<vmem>>
        %dma_wait3A_473 = tpu.memref_squeeze %dma_wait3A_472 : memref<1x128xi32, #tpu.memory_space<vmem>> -> memref<128xi32, #tpu.memory_space<vmem>>
        %dma_wait3A_474 = arith.constant 0 : i32
        %dma_wait3A_475 = arith.constant 0 : i32
        %dma_wait3A_476 = tpu.memref_slice %arg12[%dma_wait3A_474, %dma_wait3A_475] : memref<10240x128xf32, #tpu.memory_space<vmem_shared>> -> memref<10240x128xf32, #tpu.memory_space<vmem_shared>>
        tpu.wait_indirect_dma semaphore(%arg17 : memref<!tpu.dma_semaphore, #tpu.memory_space<semaphore_mem>>) src(%arg10 : memref<128x128xf32, #tpu.memory_space<vmem>>) dst(%dma_wait3A_476 : memref<10240x128xf32, #tpu.memory_space<vmem_shared>>)
      } else {
      }
      %add3A_271 = arith.constant 0 : i32
      %add3A_272 = arith.addi %add3A_239, %add3A_271 : i32
      %add3A_273 = arith.constant 1 : i32
      %add3A_274 = arith.addi %add3A_272, %add3A_273 : i32
      %lt3A_275 = arith.constant 2500 : i32
      %lt3A_276 = arith.cmpi slt, %add3A_274, %lt3A_275 : i32
      %convert_element_type3A_277 = arith.extui %lt3A_276 : i1 to i32
      %cond3A_278 = arith.constant 0 : i32
      %cond3A_279 = arith.cmpi ne, %convert_element_type3A_277, %cond3A_278 : i32
      scf.if %cond3A_279 {
        %add3A_469 = arith.constant 0 : i32
        %add3A_470 = arith.addi %mul3A_242, %add3A_469 : i32
        %add3A_471 = arith.constant 1 : i32
        %add3A_472 = arith.addi %add3A_470, %add3A_471 : i32
        %dma_start3A_473 = arith.constant 0 : i32
        %dma_start3A_474 = tpu.memref_slice %arg7[%add3A_472, %dma_start3A_473] : memref<40x128xi32, #tpu.memory_space<vmem>> -> memref<1x128xi32, #tpu.memory_space<vmem>>
        %dma_start3A_475 = tpu.memref_squeeze %dma_start3A_474 : memref<1x128xi32, #tpu.memory_space<vmem>> -> memref<128xi32, #tpu.memory_space<vmem>>
        %dma_start3A_476 = arith.constant 0 : i32
        %dma_start3A_477 = arith.constant 0 : i32
        %dma_start3A_478 = tpu.memref_slice %arg4[%dma_start3A_476, %dma_start3A_477] : memref<10000x128xf32, #tpu.memory_space<hbm>> -> memref<10000x128xf32, #tpu.memory_space<hbm>>
        tpu.enqueue_indirect_dma source(%dma_start3A_478 : memref<10000x128xf32, #tpu.memory_space<hbm>>) target(%arg10 : memref<128x128xf32, #tpu.memory_space<vmem>>) offsets(%dma_start3A_475 : memref<128xi32, #tpu.memory_space<vmem>>) semaphore(%arg15 : memref<!tpu.dma_semaphore, #tpu.memory_space<semaphore_mem>>)
      } else {
      }
      %add3A_280 = arith.constant 0 : i32
      %add3A_281 = arith.addi %add3A_239, %add3A_280 : i32
      %lt3A_282 = arith.constant 2500 : i32
      %lt3A_283 = arith.cmpi slt, %add3A_281, %lt3A_282 : i32
      %convert_element_type3A_284 = arith.extui %lt3A_283 : i1 to i32
      %cond3A_285 = arith.constant 0 : i32
      %cond3A_286 = arith.cmpi ne, %convert_element_type3A_284, %cond3A_285 : i32
      scf.if %cond3A_286 {
        %add3A_469 = arith.constant 0 : i32
        %add3A_470 = arith.addi %mul3A_242, %add3A_469 : i32
        %dma_wait3A_471 = arith.constant 0 : i32
        %dma_wait3A_472 = tpu.memref_slice %arg7[%add3A_470, %dma_wait3A_471] : memref<40x128xi32, #tpu.memory_space<vmem>> -> memref<1x128xi32, #tpu.memory_space<vmem>>
        %dma_wait3A_473 = tpu.memref_squeeze %dma_wait3A_472 : memref<1x128xi32, #tpu.memory_space<vmem>> -> memref<128xi32, #tpu.memory_space<vmem>>
        %dma_wait3A_474 = arith.constant 0 : i32
        %dma_wait3A_475 = arith.constant 0 : i32
        %dma_wait3A_476 = tpu.memref_slice %arg4[%dma_wait3A_474, %dma_wait3A_475] : memref<10000x128xf32, #tpu.memory_space<hbm>> -> memref<10000x128xf32, #tpu.memory_space<hbm>>
        tpu.wait_indirect_dma semaphore(%arg14 : memref<!tpu.dma_semaphore, #tpu.memory_space<semaphore_mem>>) src(%dma_wait3A_476 : memref<10000x128xf32, #tpu.memory_space<hbm>>) dst(%arg9 : memref<128x128xf32, #tpu.memory_space<vmem>>)
        %add3A_477 = arith.constant 0 : i32
        %add3A_478 = arith.addi %mul3A_242, %add3A_477 : i32
        %dma_start3A_479 = arith.constant 0 : i32
        %dma_start3A_480 = tpu.memref_slice %arg8[%add3A_478, %dma_start3A_479] : memref<40x128xi32, #tpu.memory_space<vmem>> -> memref<1x128xi32, #tpu.memory_space<vmem>>
        %dma_start3A_481 = tpu.memref_squeeze %dma_start3A_480 : memref<1x128xi32, #tpu.memory_space<vmem>> -> memref<128xi32, #tpu.memory_space<vmem>>
        %dma_start3A_482 = arith.constant 0 : i32
        %dma_start3A_483 = arith.constant 0 : i32
        %dma_start3A_484 = tpu.memref_slice %arg12[%dma_start3A_482, %dma_start3A_483] : memref<10240x128xf32, #tpu.memory_space<vmem_shared>> -> memref<10240x128xf32, #tpu.memory_space<vmem_shared>>
        tpu.enqueue_indirect_dma source(%arg9 : memref<128x128xf32, #tpu.memory_space<vmem>>) target(%dma_start3A_484 : memref<10240x128xf32, #tpu.memory_space<vmem_shared>>) offsets(%dma_start3A_481 : memref<128xi32, #tpu.memory_space<vmem>>) semaphore(%arg16 : memref<!tpu.dma_semaphore, #tpu.memory_space<semaphore_mem>>) {add = true}
        %add3A_485 = arith.constant 0 : i32
        %add3A_486 = arith.addi %mul3A_242, %add3A_485 : i32
        %dma_start3A_487 = arith.constant 0 : i32
        %dma_start3A_488 = tpu.memref_slice %arg8[%add3A_486, %dma_start3A_487] : memref<40x128xi32, #tpu.memory_space<vmem>> -> memref<1x128xi32, #tpu.memory_space<vmem>>
        %dma_start3A_489 = tpu.memref_squeeze %dma_start3A_488 : memref<1x128xi32, #tpu.memory_space<vmem>> -> memref<128xi32, #tpu.memory_space<vmem>>
        %dma_start3A_490 = arith.constant 0 : i32
        %dma_start3A_491 = tpu.memref_slice %arg13[%dma_start3A_490] : memref<10240xf32, #tpu.memory_space<vmem_shared>> -> memref<10240xf32, #tpu.memory_space<vmem_shared>>
        tpu.enqueue_indirect_dma source(%arg11 : memref<128xf32, #tpu.memory_space<vmem>>) target(%dma_start3A_491 : memref<10240xf32, #tpu.memory_space<vmem_shared>>) offsets(%dma_start3A_489 : memref<128xi32, #tpu.memory_space<vmem>>) semaphore(%arg18 : memref<!tpu.dma_semaphore, #tpu.memory_space<semaphore_mem>>) {add = true}
      } else {
      }
      %add3A_287 = arith.constant 1 : i32
      %add3A_288 = arith.addi %add3A_239, %add3A_287 : i32
      %sub3A_289 = arith.constant 1 : i32
      %sub3A_290 = arith.subi %add3A_288, %sub3A_289 : i32
      %lt3A_291 = arith.constant 2500 : i32
      %lt3A_292 = arith.cmpi slt, %sub3A_290, %lt3A_291 : i32
      %convert_element_type3A_293 = arith.extui %lt3A_292 : i1 to i32
      %cond3A_294 = arith.constant 0 : i32
      %cond3A_295 = arith.cmpi ne, %convert_element_type3A_293, %cond3A_294 : i32
      scf.if %cond3A_295 {
        %add3A_469 = arith.constant 1 : i32
        %add3A_470 = arith.addi %mul3A_242, %add3A_469 : i32
        %sub3A_471 = arith.constant 1 : i32
        %sub3A_472 = arith.subi %add3A_470, %sub3A_471 : i32
        %dma_wait3A_473 = arith.constant 0 : i32
        %dma_wait3A_474 = tpu.memref_slice %arg8[%sub3A_472, %dma_wait3A_473] : memref<40x128xi32, #tpu.memory_space<vmem>> -> memref<1x128xi32, #tpu.memory_space<vmem>>
        %dma_wait3A_475 = tpu.memref_squeeze %dma_wait3A_474 : memref<1x128xi32, #tpu.memory_space<vmem>> -> memref<128xi32, #tpu.memory_space<vmem>>
        %dma_wait3A_476 = arith.constant 0 : i32
        %dma_wait3A_477 = arith.constant 0 : i32
        %dma_wait3A_478 = tpu.memref_slice %arg12[%dma_wait3A_476, %dma_wait3A_477] : memref<10240x128xf32, #tpu.memory_space<vmem_shared>> -> memref<10240x128xf32, #tpu.memory_space<vmem_shared>>
        tpu.wait_indirect_dma semaphore(%arg16 : memref<!tpu.dma_semaphore, #tpu.memory_space<semaphore_mem>>) src(%arg9 : memref<128x128xf32, #tpu.memory_space<vmem>>) dst(%dma_wait3A_478 : memref<10240x128xf32, #tpu.memory_space<vmem_shared>>)
      } else {
      }
      %add3A_296 = arith.constant 1 : i32
      %add3A_297 = arith.addi %add3A_239, %add3A_296 : i32
      %add3A_298 = arith.constant 1 : i32
      %add3A_299 = arith.addi %add3A_297, %add3A_298 : i32
      %lt3A_300 = arith.constant 2500 : i32
      %lt3A_301 = arith.cmpi slt, %add3A_299, %lt3A_300 : i32
      %convert_element_type3A_302 = arith.extui %lt3A_301 : i1 to i32
      %cond3A_303 = arith.constant 0 : i32
      %cond3A_304 = arith.cmpi ne, %convert_element_type3A_302, %cond3A_303 : i32
      scf.if %cond3A_304 {
        %add3A_469 = arith.constant 1 : i32
        %add3A_470 = arith.addi %mul3A_242, %add3A_469 : i32
        %add3A_471 = arith.constant 1 : i32
        %add3A_472 = arith.addi %add3A_470, %add3A_471 : i32
        %dma_start3A_473 = arith.constant 0 : i32
        %dma_start3A_474 = tpu.memref_slice %arg7[%add3A_472, %dma_start3A_473] : memref<40x128xi32, #tpu.memory_space<vmem>> -> memref<1x128xi32, #tpu.memory_space<vmem>>
        %dma_start3A_475 = tpu.memref_squeeze %dma_start3A_474 : memref<1x128xi32, #tpu.memory_space<vmem>> -> memref<128xi32, #tpu.memory_space<vmem>>
        %dma_start3A_476 = arith.constant 0 : i32
        %dma_start3A_477 = arith.constant 0 : i32
        %dma_start3A_478 = tpu.memref_slice %arg4[%dma_start3A_476, %dma_start3A_477] : memref<10000x128xf32, #tpu.memory_space<hbm>> -> memref<10000x128xf32, #tpu.memory_space<hbm>>
        tpu.enqueue_indirect_dma source(%dma_start3A_478 : memref<10000x128xf32, #tpu.memory_space<hbm>>) target(%arg9 : memref<128x128xf32, #tpu.memory_space<vmem>>) offsets(%dma_start3A_475 : memref<128xi32, #tpu.memory_space<vmem>>) semaphore(%arg14 : memref<!tpu.dma_semaphore, #tpu.memory_space<semaphore_mem>>)
      } else {
      }
      %add3A_305 = arith.constant 1 : i32
      %add3A_306 = arith.addi %add3A_239, %add3A_305 : i32
      %lt3A_307 = arith.constant 2500 : i32
      %lt3A_308 = arith.cmpi slt, %add3A_306, %lt3A_307 : i32
      %convert_element_type3A_309 = arith.extui %lt3A_308 : i1 to i32
      %cond3A_310 = arith.constant 0 : i32
      %cond3A_311 = arith.cmpi ne, %convert_element_type3A_309, %cond3A_310 : i32
      scf.if %cond3A_311 {
        %add3A_469 = arith.constant 1 : i32
        %add3A_470 = arith.addi %mul3A_242, %add3A_469 : i32
        %dma_wait3A_471 = arith.constant 0 : i32
        %dma_wait3A_472 = tpu.memref_slice %arg7[%add3A_470, %dma_wait3A_471] : memref<40x128xi32, #tpu.memory_space<vmem>> -> memref<1x128xi32, #tpu.memory_space<vmem>>
        %dma_wait3A_473 = tpu.memref_squeeze %dma_wait3A_472 : memref<1x128xi32, #tpu.memory_space<vmem>> -> memref<128xi32, #tpu.memory_space<vmem>>
        %dma_wait3A_474 = arith.constant 0 : i32
        %dma_wait3A_475 = arith.constant 0 : i32
        %dma_wait3A_476 = tpu.memref_slice %arg4[%dma_wait3A_474, %dma_wait3A_475] : memref<10000x128xf32, #tpu.memory_space<hbm>> -> memref<10000x128xf32, #tpu.memory_space<hbm>>
        tpu.wait_indirect_dma semaphore(%arg15 : memref<!tpu.dma_semaphore, #tpu.memory_space<semaphore_mem>>) src(%dma_wait3A_476 : memref<10000x128xf32, #tpu.memory_space<hbm>>) dst(%arg10 : memref<128x128xf32, #tpu.memory_space<vmem>>)
        %add3A_477 = arith.constant 1 : i32
        %add3A_478 = arith.addi %mul3A_242, %add3A_477 : i32
        %dma_start3A_479 = arith.constant 0 : i32
        %dma_start3A_480 = tpu.memref_slice %arg8[%add3A_478, %dma_start3A_479] : memref<40x128xi32, #tpu.memory_space<vmem>> -> memref<1x128xi32, #tpu.memory_space<vmem>>
        %dma_start3A_481 = tpu.memref_squeeze %dma_start3A_480 : memref<1x128xi32, #tpu.memory_space<vmem>> -> memref<128xi32, #tpu.memory_space<vmem>>
        %dma_start3A_482 = arith.constant 0 : i32
        %dma_start3A_483 = arith.constant 0 : i32
        %dma_start3A_484 = tpu.memref_slice %arg12[%dma_start3A_482, %dma_start3A_483] : memref<10240x128xf32, #tpu.memory_space<vmem_shared>> -> memref<10240x128xf32, #tpu.memory_space<vmem_shared>>
        tpu.enqueue_indirect_dma source(%arg10 : memref<128x128xf32, #tpu.memory_space<vmem>>) target(%dma_start3A_484 : memref<10240x128xf32, #tpu.memory_space<vmem_shared>>) offsets(%dma_start3A_481 : memref<128xi32, #tpu.memory_space<vmem>>) semaphore(%arg17 : memref<!tpu.dma_semaphore, #tpu.memory_space<semaphore_mem>>) {add = true}
        %add3A_485 = arith.constant 1 : i32
        %add3A_486 = arith.addi %mul3A_242, %add3A_485 : i32
        %dma_start3A_487 = arith.constant 0 : i32
        %dma_start3A_488 = tpu.memref_slice %arg8[%add3A_486, %dma_start3A_487] : memref<40x128xi32, #tpu.memory_space<vmem>> -> memref<1x128xi32, #tpu.memory_space<vmem>>
        %dma_start3A_489 = tpu.memref_squeeze %dma_start3A_488 : memref<1x128xi32, #tpu.memory_space<vmem>> -> memref<128xi32, #tpu.memory_space<vmem>>
        %dma_start3A_490 = arith.constant 0 : i32
        %dma_start3A_491 = tpu.memref_slice %arg13[%dma_start3A_490] : memref<10240xf32, #tpu.memory_space<vmem_shared>> -> memref<10240xf32, #tpu.memory_space<vmem_shared>>
        tpu.enqueue_indirect_dma source(%arg11 : memref<128xf32, #tpu.memory_space<vmem>>) target(%dma_start3A_491 : memref<10240xf32, #tpu.memory_space<vmem_shared>>) offsets(%dma_start3A_489 : memref<128xi32, #tpu.memory_space<vmem>>) semaphore(%arg18 : memref<!tpu.dma_semaphore, #tpu.memory_space<semaphore_mem>>) {add = true}
      } else {
      }
      %add3A_312 = arith.constant 2 : i32
      %add3A_313 = arith.addi %add3A_239, %add3A_312 : i32
      %sub3A_314 = arith.constant 1 : i32
      %sub3A_315 = arith.subi %add3A_313, %sub3A_314 : i32
      %lt3A_316 = arith.constant 2500 : i32
      %lt3A_317 = arith.cmpi slt, %sub3A_315, %lt3A_316 : i32
      %convert_element_type3A_318 = arith.extui %lt3A_317 : i1 to i32
      %cond3A_319 = arith.constant 0 : i32
      %cond3A_320 = arith.cmpi ne, %convert_element_type3A_318, %cond3A_319 : i32
      scf.if %cond3A_320 {
        %add3A_469 = arith.constant 2 : i32
        %add3A_470 = arith.addi %mul3A_242, %add3A_469 : i32
        %sub3A_471 = arith.constant 1 : i32
        %sub3A_472 = arith.subi %add3A_470, %sub3A_471 : i32
        %dma_wait3A_473 = arith.constant 0 : i32
        %dma_wait3A_474 = tpu.memref_slice %arg8[%sub3A_472, %dma_wait3A_473] : memref<40x128xi32, #tpu.memory_space<vmem>> -> memref<1x128xi32, #tpu.memory_space<vmem>>
        %dma_wait3A_475 = tpu.memref_squeeze %dma_wait3A_474 : memref<1x128xi32, #tpu.memory_space<vmem>> -> memref<128xi32, #tpu.memory_space<vmem>>
        %dma_wait3A_476 = arith.constant 0 : i32
        %dma_wait3A_477 = arith.constant 0 : i32
        %dma_wait3A_478 = tpu.memref_slice %arg12[%dma_wait3A_476, %dma_wait3A_477] : memref<10240x128xf32, #tpu.memory_space<vmem_shared>> -> memref<10240x128xf32, #tpu.memory_space<vmem_shared>>
        tpu.wait_indirect_dma semaphore(%arg17 : memref<!tpu.dma_semaphore, #tpu.memory_space<semaphore_mem>>) src(%arg10 : memref<128x128xf32, #tpu.memory_space<vmem>>) dst(%dma_wait3A_478 : memref<10240x128xf32, #tpu.memory_space<vmem_shared>>)
      } else {
      }
      %add3A_321 = arith.constant 2 : i32
      %add3A_322 = arith.addi %add3A_239, %add3A_321 : i32
      %add3A_323 = arith.constant 1 : i32
      %add3A_324 = arith.addi %add3A_322, %add3A_323 : i32
      %lt3A_325 = arith.constant 2500 : i32
      %lt3A_326 = arith.cmpi slt, %add3A_324, %lt3A_325 : i32
      %convert_element_type3A_327 = arith.extui %lt3A_326 : i1 to i32
      %cond3A_328 = arith.constant 0 : i32
      %cond3A_329 = arith.cmpi ne, %convert_element_type3A_327, %cond3A_328 : i32
      scf.if %cond3A_329 {
        %add3A_469 = arith.constant 2 : i32
        %add3A_470 = arith.addi %mul3A_242, %add3A_469 : i32
        %add3A_471 = arith.constant 1 : i32
        %add3A_472 = arith.addi %add3A_470, %add3A_471 : i32
        %dma_start3A_473 = arith.constant 0 : i32
        %dma_start3A_474 = tpu.memref_slice %arg7[%add3A_472, %dma_start3A_473] : memref<40x128xi32, #tpu.memory_space<vmem>> -> memref<1x128xi32, #tpu.memory_space<vmem>>
        %dma_start3A_475 = tpu.memref_squeeze %dma_start3A_474 : memref<1x128xi32, #tpu.memory_space<vmem>> -> memref<128xi32, #tpu.memory_space<vmem>>
        %dma_start3A_476 = arith.constant 0 : i32
        %dma_start3A_477 = arith.constant 0 : i32
        %dma_start3A_478 = tpu.memref_slice %arg4[%dma_start3A_476, %dma_start3A_477] : memref<10000x128xf32, #tpu.memory_space<hbm>> -> memref<10000x128xf32, #tpu.memory_space<hbm>>
        tpu.enqueue_indirect_dma source(%dma_start3A_478 : memref<10000x128xf32, #tpu.memory_space<hbm>>) target(%arg10 : memref<128x128xf32, #tpu.memory_space<vmem>>) offsets(%dma_start3A_475 : memref<128xi32, #tpu.memory_space<vmem>>) semaphore(%arg15 : memref<!tpu.dma_semaphore, #tpu.memory_space<semaphore_mem>>)
      } else {
      }
      %add3A_330 = arith.constant 2 : i32
      %add3A_331 = arith.addi %add3A_239, %add3A_330 : i32
      %lt3A_332 = arith.constant 2500 : i32
      %lt3A_333 = arith.cmpi slt, %add3A_331, %lt3A_332 : i32
      %convert_element_type3A_334 = arith.extui %lt3A_333 : i1 to i32
      %cond3A_335 = arith.constant 0 : i32
      %cond3A_336 = arith.cmpi ne, %convert_element_type3A_334, %cond3A_335 : i32
      scf.if %cond3A_336 {
        %add3A_469 = arith.constant 2 : i32
        %add3A_470 = arith.addi %mul3A_242, %add3A_469 : i32
        %dma_wait3A_471 = arith.constant 0 : i32
        %dma_wait3A_472 = tpu.memref_slice %arg7[%add3A_470, %dma_wait3A_471] : memref<40x128xi32, #tpu.memory_space<vmem>> -> memref<1x128xi32, #tpu.memory_space<vmem>>
        %dma_wait3A_473 = tpu.memref_squeeze %dma_wait3A_472 : memref<1x128xi32, #tpu.memory_space<vmem>> -> memref<128xi32, #tpu.memory_space<vmem>>
        %dma_wait3A_474 = arith.constant 0 : i32
        %dma_wait3A_475 = arith.constant 0 : i32
        %dma_wait3A_476 = tpu.memref_slice %arg4[%dma_wait3A_474, %dma_wait3A_475] : memref<10000x128xf32, #tpu.memory_space<hbm>> -> memref<10000x128xf32, #tpu.memory_space<hbm>>
        tpu.wait_indirect_dma semaphore(%arg14 : memref<!tpu.dma_semaphore, #tpu.memory_space<semaphore_mem>>) src(%dma_wait3A_476 : memref<10000x128xf32, #tpu.memory_space<hbm>>) dst(%arg9 : memref<128x128xf32, #tpu.memory_space<vmem>>)
        %add3A_477 = arith.constant 2 : i32
        %add3A_478 = arith.addi %mul3A_242, %add3A_477 : i32
        %dma_start3A_479 = arith.constant 0 : i32
        %dma_start3A_480 = tpu.memref_slice %arg8[%add3A_478, %dma_start3A_479] : memref<40x128xi32, #tpu.memory_space<vmem>> -> memref<1x128xi32, #tpu.memory_space<vmem>>
        %dma_start3A_481 = tpu.memref_squeeze %dma_start3A_480 : memref<1x128xi32, #tpu.memory_space<vmem>> -> memref<128xi32, #tpu.memory_space<vmem>>
        %dma_start3A_482 = arith.constant 0 : i32
        %dma_start3A_483 = arith.constant 0 : i32
        %dma_start3A_484 = tpu.memref_slice %arg12[%dma_start3A_482, %dma_start3A_483] : memref<10240x128xf32, #tpu.memory_space<vmem_shared>> -> memref<10240x128xf32, #tpu.memory_space<vmem_shared>>
        tpu.enqueue_indirect_dma source(%arg9 : memref<128x128xf32, #tpu.memory_space<vmem>>) target(%dma_start3A_484 : memref<10240x128xf32, #tpu.memory_space<vmem_shared>>) offsets(%dma_start3A_481 : memref<128xi32, #tpu.memory_space<vmem>>) semaphore(%arg16 : memref<!tpu.dma_semaphore, #tpu.memory_space<semaphore_mem>>) {add = true}
        %add3A_485 = arith.constant 2 : i32
        %add3A_486 = arith.addi %mul3A_242, %add3A_485 : i32
        %dma_start3A_487 = arith.constant 0 : i32
        %dma_start3A_488 = tpu.memref_slice %arg8[%add3A_486, %dma_start3A_487] : memref<40x128xi32, #tpu.memory_space<vmem>> -> memref<1x128xi32, #tpu.memory_space<vmem>>
        %dma_start3A_489 = tpu.memref_squeeze %dma_start3A_488 : memref<1x128xi32, #tpu.memory_space<vmem>> -> memref<128xi32, #tpu.memory_space<vmem>>
        %dma_start3A_490 = arith.constant 0 : i32
        %dma_start3A_491 = tpu.memref_slice %arg13[%dma_start3A_490] : memref<10240xf32, #tpu.memory_space<vmem_shared>> -> memref<10240xf32, #tpu.memory_space<vmem_shared>>
        tpu.enqueue_indirect_dma source(%arg11 : memref<128xf32, #tpu.memory_space<vmem>>) target(%dma_start3A_491 : memref<10240xf32, #tpu.memory_space<vmem_shared>>) offsets(%dma_start3A_489 : memref<128xi32, #tpu.memory_space<vmem>>) semaphore(%arg18 : memref<!tpu.dma_semaphore, #tpu.memory_space<semaphore_mem>>) {add = true}
      } else {
      }
      %add3A_337 = arith.constant 3 : i32
      %add3A_338 = arith.addi %add3A_239, %add3A_337 : i32
      %sub3A_339 = arith.constant 1 : i32
      %sub3A_340 = arith.subi %add3A_338, %sub3A_339 : i32
      %lt3A_341 = arith.constant 2500 : i32
      %lt3A_342 = arith.cmpi slt, %sub3A_340, %lt3A_341 : i32
      %convert_element_type3A_343 = arith.extui %lt3A_342 : i1 to i32
      %cond3A_344 = arith.constant 0 : i32
      %cond3A_345 = arith.cmpi ne, %convert_element_type3A_343, %cond3A_344 : i32
      scf.if %cond3A_345 {
        %add3A_469 = arith.constant 3 : i32
        %add3A_470 = arith.addi %mul3A_242, %add3A_469 : i32
        %sub3A_471 = arith.constant 1 : i32
        %sub3A_472 = arith.subi %add3A_470, %sub3A_471 : i32
        %dma_wait3A_473 = arith.constant 0 : i32
        %dma_wait3A_474 = tpu.memref_slice %arg8[%sub3A_472, %dma_wait3A_473] : memref<40x128xi32, #tpu.memory_space<vmem>> -> memref<1x128xi32, #tpu.memory_space<vmem>>
        %dma_wait3A_475 = tpu.memref_squeeze %dma_wait3A_474 : memref<1x128xi32, #tpu.memory_space<vmem>> -> memref<128xi32, #tpu.memory_space<vmem>>
        %dma_wait3A_476 = arith.constant 0 : i32
        %dma_wait3A_477 = arith.constant 0 : i32
        %dma_wait3A_478 = tpu.memref_slice %arg12[%dma_wait3A_476, %dma_wait3A_477] : memref<10240x128xf32, #tpu.memory_space<vmem_shared>> -> memref<10240x128xf32, #tpu.memory_space<vmem_shared>>
        tpu.wait_indirect_dma semaphore(%arg16 : memref<!tpu.dma_semaphore, #tpu.memory_space<semaphore_mem>>) src(%arg9 : memref<128x128xf32, #tpu.memory_space<vmem>>) dst(%dma_wait3A_478 : memref<10240x128xf32, #tpu.memory_space<vmem_shared>>)
      } else {
      }
      %add3A_346 = arith.constant 3 : i32
      %add3A_347 = arith.addi %add3A_239, %add3A_346 : i32
      %add3A_348 = arith.constant 1 : i32
      %add3A_349 = arith.addi %add3A_347, %add3A_348 : i32
      %lt3A_350 = arith.constant 2500 : i32
      %lt3A_351 = arith.cmpi slt, %add3A_349, %lt3A_350 : i32
      %convert_element_type3A_352 = arith.extui %lt3A_351 : i1 to i32
      %cond3A_353 = arith.constant 0 : i32
      %cond3A_354 = arith.cmpi ne, %convert_element_type3A_352, %cond3A_353 : i32
      scf.if %cond3A_354 {
        %add3A_469 = arith.constant 3 : i32
        %add3A_470 = arith.addi %mul3A_242, %add3A_469 : i32
        %add3A_471 = arith.constant 1 : i32
        %add3A_472 = arith.addi %add3A_470, %add3A_471 : i32
        %dma_start3A_473 = arith.constant 0 : i32
        %dma_start3A_474 = tpu.memref_slice %arg7[%add3A_472, %dma_start3A_473] : memref<40x128xi32, #tpu.memory_space<vmem>> -> memref<1x128xi32, #tpu.memory_space<vmem>>
        %dma_start3A_475 = tpu.memref_squeeze %dma_start3A_474 : memref<1x128xi32, #tpu.memory_space<vmem>> -> memref<128xi32, #tpu.memory_space<vmem>>
        %dma_start3A_476 = arith.constant 0 : i32
        %dma_start3A_477 = arith.constant 0 : i32
        %dma_start3A_478 = tpu.memref_slice %arg4[%dma_start3A_476, %dma_start3A_477] : memref<10000x128xf32, #tpu.memory_space<hbm>> -> memref<10000x128xf32, #tpu.memory_space<hbm>>
        tpu.enqueue_indirect_dma source(%dma_start3A_478 : memref<10000x128xf32, #tpu.memory_space<hbm>>) target(%arg9 : memref<128x128xf32, #tpu.memory_space<vmem>>) offsets(%dma_start3A_475 : memref<128xi32, #tpu.memory_space<vmem>>) semaphore(%arg14 : memref<!tpu.dma_semaphore, #tpu.memory_space<semaphore_mem>>)
      } else {
      }
      %add3A_355 = arith.constant 3 : i32
      %add3A_356 = arith.addi %add3A_239, %add3A_355 : i32
      %lt3A_357 = arith.constant 2500 : i32
      %lt3A_358 = arith.cmpi slt, %add3A_356, %lt3A_357 : i32
      %convert_element_type3A_359 = arith.extui %lt3A_358 : i1 to i32
      %cond3A_360 = arith.constant 0 : i32
      %cond3A_361 = arith.cmpi ne, %convert_element_type3A_359, %cond3A_360 : i32
      scf.if %cond3A_361 {
        %add3A_469 = arith.constant 3 : i32
        %add3A_470 = arith.addi %mul3A_242, %add3A_469 : i32
        %dma_wait3A_471 = arith.constant 0 : i32
        %dma_wait3A_472 = tpu.memref_slice %arg7[%add3A_470, %dma_wait3A_471] : memref<40x128xi32, #tpu.memory_space<vmem>> -> memref<1x128xi32, #tpu.memory_space<vmem>>
        %dma_wait3A_473 = tpu.memref_squeeze %dma_wait3A_472 : memref<1x128xi32, #tpu.memory_space<vmem>> -> memref<128xi32, #tpu.memory_space<vmem>>
        %dma_wait3A_474 = arith.constant 0 : i32
        %dma_wait3A_475 = arith.constant 0 : i32
        %dma_wait3A_476 = tpu.memref_slice %arg4[%dma_wait3A_474, %dma_wait3A_475] : memref<10000x128xf32, #tpu.memory_space<hbm>> -> memref<10000x128xf32, #tpu.memory_space<hbm>>
        tpu.wait_indirect_dma semaphore(%arg15 : memref<!tpu.dma_semaphore, #tpu.memory_space<semaphore_mem>>) src(%dma_wait3A_476 : memref<10000x128xf32, #tpu.memory_space<hbm>>) dst(%arg10 : memref<128x128xf32, #tpu.memory_space<vmem>>)
        %add3A_477 = arith.constant 3 : i32
        %add3A_478 = arith.addi %mul3A_242, %add3A_477 : i32
        %dma_start3A_479 = arith.constant 0 : i32
        %dma_start3A_480 = tpu.memref_slice %arg8[%add3A_478, %dma_start3A_479] : memref<40x128xi32, #tpu.memory_space<vmem>> -> memref<1x128xi32, #tpu.memory_space<vmem>>
        %dma_start3A_481 = tpu.memref_squeeze %dma_start3A_480 : memref<1x128xi32, #tpu.memory_space<vmem>> -> memref<128xi32, #tpu.memory_space<vmem>>
        %dma_start3A_482 = arith.constant 0 : i32
        %dma_start3A_483 = arith.constant 0 : i32
        %dma_start3A_484 = tpu.memref_slice %arg12[%dma_start3A_482, %dma_start3A_483] : memref<10240x128xf32, #tpu.memory_space<vmem_shared>> -> memref<10240x128xf32, #tpu.memory_space<vmem_shared>>
        tpu.enqueue_indirect_dma source(%arg10 : memref<128x128xf32, #tpu.memory_space<vmem>>) target(%dma_start3A_484 : memref<10240x128xf32, #tpu.memory_space<vmem_shared>>) offsets(%dma_start3A_481 : memref<128xi32, #tpu.memory_space<vmem>>) semaphore(%arg17 : memref<!tpu.dma_semaphore, #tpu.memory_space<semaphore_mem>>) {add = true}
        %add3A_485 = arith.constant 3 : i32
        %add3A_486 = arith.addi %mul3A_242, %add3A_485 : i32
        %dma_start3A_487 = arith.constant 0 : i32
        %dma_start3A_488 = tpu.memref_slice %arg8[%add3A_486, %dma_start3A_487] : memref<40x128xi32, #tpu.memory_space<vmem>> -> memref<1x128xi32, #tpu.memory_space<vmem>>
        %dma_start3A_489 = tpu.memref_squeeze %dma_start3A_488 : memref<1x128xi32, #tpu.memory_space<vmem>> -> memref<128xi32, #tpu.memory_space<vmem>>
        %dma_start3A_490 = arith.constant 0 : i32
        %dma_start3A_491 = tpu.memref_slice %arg13[%dma_start3A_490] : memref<10240xf32, #tpu.memory_space<vmem_shared>> -> memref<10240xf32, #tpu.memory_space<vmem_shared>>
        tpu.enqueue_indirect_dma source(%arg11 : memref<128xf32, #tpu.memory_space<vmem>>) target(%dma_start3A_491 : memref<10240xf32, #tpu.memory_space<vmem_shared>>) offsets(%dma_start3A_489 : memref<128xi32, #tpu.memory_space<vmem>>) semaphore(%arg18 : memref<!tpu.dma_semaphore, #tpu.memory_space<semaphore_mem>>) {add = true}
      } else {
      }
      %add3A_362 = arith.constant 4 : i32
      %add3A_363 = arith.addi %add3A_239, %add3A_362 : i32
      %sub3A_364 = arith.constant 1 : i32
      %sub3A_365 = arith.subi %add3A_363, %sub3A_364 : i32
      %lt3A_366 = arith.constant 2500 : i32
      %lt3A_367 = arith.cmpi slt, %sub3A_365, %lt3A_366 : i32
      %convert_element_type3A_368 = arith.extui %lt3A_367 : i1 to i32
      %cond3A_369 = arith.constant 0 : i32
      %cond3A_370 = arith.cmpi ne, %convert_element_type3A_368, %cond3A_369 : i32
      scf.if %cond3A_370 {
        %add3A_469 = arith.constant 4 : i32
        %add3A_470 = arith.addi %mul3A_242, %add3A_469 : i32
        %sub3A_471 = arith.constant 1 : i32
        %sub3A_472 = arith.subi %add3A_470, %sub3A_471 : i32
        %dma_wait3A_473 = arith.constant 0 : i32
        %dma_wait3A_474 = tpu.memref_slice %arg8[%sub3A_472, %dma_wait3A_473] : memref<40x128xi32, #tpu.memory_space<vmem>> -> memref<1x128xi32, #tpu.memory_space<vmem>>
        %dma_wait3A_475 = tpu.memref_squeeze %dma_wait3A_474 : memref<1x128xi32, #tpu.memory_space<vmem>> -> memref<128xi32, #tpu.memory_space<vmem>>
        %dma_wait3A_476 = arith.constant 0 : i32
        %dma_wait3A_477 = arith.constant 0 : i32
        %dma_wait3A_478 = tpu.memref_slice %arg12[%dma_wait3A_476, %dma_wait3A_477] : memref<10240x128xf32, #tpu.memory_space<vmem_shared>> -> memref<10240x128xf32, #tpu.memory_space<vmem_shared>>
        tpu.wait_indirect_dma semaphore(%arg17 : memref<!tpu.dma_semaphore, #tpu.memory_space<semaphore_mem>>) src(%arg10 : memref<128x128xf32, #tpu.memory_space<vmem>>) dst(%dma_wait3A_478 : memref<10240x128xf32, #tpu.memory_space<vmem_shared>>)
      } else {
      }
      %add3A_371 = arith.constant 4 : i32
      %add3A_372 = arith.addi %add3A_239, %add3A_371 : i32
      %add3A_373 = arith.constant 1 : i32
      %add3A_374 = arith.addi %add3A_372, %add3A_373 : i32
      %lt3A_375 = arith.constant 2500 : i32
      %lt3A_376 = arith.cmpi slt, %add3A_374, %lt3A_375 : i32
      %convert_element_type3A_377 = arith.extui %lt3A_376 : i1 to i32
      %cond3A_378 = arith.constant 0 : i32
      %cond3A_379 = arith.cmpi ne, %convert_element_type3A_377, %cond3A_378 : i32
      scf.if %cond3A_379 {
        %add3A_469 = arith.constant 4 : i32
        %add3A_470 = arith.addi %mul3A_242, %add3A_469 : i32
        %add3A_471 = arith.constant 1 : i32
        %add3A_472 = arith.addi %add3A_470, %add3A_471 : i32
        %dma_start3A_473 = arith.constant 0 : i32
        %dma_start3A_474 = tpu.memref_slice %arg7[%add3A_472, %dma_start3A_473] : memref<40x128xi32, #tpu.memory_space<vmem>> -> memref<1x128xi32, #tpu.memory_space<vmem>>
        %dma_start3A_475 = tpu.memref_squeeze %dma_start3A_474 : memref<1x128xi32, #tpu.memory_space<vmem>> -> memref<128xi32, #tpu.memory_space<vmem>>
        %dma_start3A_476 = arith.constant 0 : i32
        %dma_start3A_477 = arith.constant 0 : i32
        %dma_start3A_478 = tpu.memref_slice %arg4[%dma_start3A_476, %dma_start3A_477] : memref<10000x128xf32, #tpu.memory_space<hbm>> -> memref<10000x128xf32, #tpu.memory_space<hbm>>
        tpu.enqueue_indirect_dma source(%dma_start3A_478 : memref<10000x128xf32, #tpu.memory_space<hbm>>) target(%arg10 : memref<128x128xf32, #tpu.memory_space<vmem>>) offsets(%dma_start3A_475 : memref<128xi32, #tpu.memory_space<vmem>>) semaphore(%arg15 : memref<!tpu.dma_semaphore, #tpu.memory_space<semaphore_mem>>)
      } else {
      }
      %add3A_380 = arith.constant 4 : i32
      %add3A_381 = arith.addi %add3A_239, %add3A_380 : i32
      %lt3A_382 = arith.constant 2500 : i32
      %lt3A_383 = arith.cmpi slt, %add3A_381, %lt3A_382 : i32
      %convert_element_type3A_384 = arith.extui %lt3A_383 : i1 to i32
      %cond3A_385 = arith.constant 0 : i32
      %cond3A_386 = arith.cmpi ne, %convert_element_type3A_384, %cond3A_385 : i32
      scf.if %cond3A_386 {
        %add3A_469 = arith.constant 4 : i32
        %add3A_470 = arith.addi %mul3A_242, %add3A_469 : i32
        %dma_wait3A_471 = arith.constant 0 : i32
        %dma_wait3A_472 = tpu.memref_slice %arg7[%add3A_470, %dma_wait3A_471] : memref<40x128xi32, #tpu.memory_space<vmem>> -> memref<1x128xi32, #tpu.memory_space<vmem>>
        %dma_wait3A_473 = tpu.memref_squeeze %dma_wait3A_472 : memref<1x128xi32, #tpu.memory_space<vmem>> -> memref<128xi32, #tpu.memory_space<vmem>>
        %dma_wait3A_474 = arith.constant 0 : i32
        %dma_wait3A_475 = arith.constant 0 : i32
        %dma_wait3A_476 = tpu.memref_slice %arg4[%dma_wait3A_474, %dma_wait3A_475] : memref<10000x128xf32, #tpu.memory_space<hbm>> -> memref<10000x128xf32, #tpu.memory_space<hbm>>
        tpu.wait_indirect_dma semaphore(%arg14 : memref<!tpu.dma_semaphore, #tpu.memory_space<semaphore_mem>>) src(%dma_wait3A_476 : memref<10000x128xf32, #tpu.memory_space<hbm>>) dst(%arg9 : memref<128x128xf32, #tpu.memory_space<vmem>>)
        %add3A_477 = arith.constant 4 : i32
        %add3A_478 = arith.addi %mul3A_242, %add3A_477 : i32
        %dma_start3A_479 = arith.constant 0 : i32
        %dma_start3A_480 = tpu.memref_slice %arg8[%add3A_478, %dma_start3A_479] : memref<40x128xi32, #tpu.memory_space<vmem>> -> memref<1x128xi32, #tpu.memory_space<vmem>>
        %dma_start3A_481 = tpu.memref_squeeze %dma_start3A_480 : memref<1x128xi32, #tpu.memory_space<vmem>> -> memref<128xi32, #tpu.memory_space<vmem>>
        %dma_start3A_482 = arith.constant 0 : i32
        %dma_start3A_483 = arith.constant 0 : i32
        %dma_start3A_484 = tpu.memref_slice %arg12[%dma_start3A_482, %dma_start3A_483] : memref<10240x128xf32, #tpu.memory_space<vmem_shared>> -> memref<10240x128xf32, #tpu.memory_space<vmem_shared>>
        tpu.enqueue_indirect_dma source(%arg9 : memref<128x128xf32, #tpu.memory_space<vmem>>) target(%dma_start3A_484 : memref<10240x128xf32, #tpu.memory_space<vmem_shared>>) offsets(%dma_start3A_481 : memref<128xi32, #tpu.memory_space<vmem>>) semaphore(%arg16 : memref<!tpu.dma_semaphore, #tpu.memory_space<semaphore_mem>>) {add = true}
        %add3A_485 = arith.constant 4 : i32
        %add3A_486 = arith.addi %mul3A_242, %add3A_485 : i32
        %dma_start3A_487 = arith.constant 0 : i32
        %dma_start3A_488 = tpu.memref_slice %arg8[%add3A_486, %dma_start3A_487] : memref<40x128xi32, #tpu.memory_space<vmem>> -> memref<1x128xi32, #tpu.memory_space<vmem>>
        %dma_start3A_489 = tpu.memref_squeeze %dma_start3A_488 : memref<1x128xi32, #tpu.memory_space<vmem>> -> memref<128xi32, #tpu.memory_space<vmem>>
        %dma_start3A_490 = arith.constant 0 : i32
        %dma_start3A_491 = tpu.memref_slice %arg13[%dma_start3A_490] : memref<10240xf32, #tpu.memory_space<vmem_shared>> -> memref<10240xf32, #tpu.memory_space<vmem_shared>>
        tpu.enqueue_indirect_dma source(%arg11 : memref<128xf32, #tpu.memory_space<vmem>>) target(%dma_start3A_491 : memref<10240xf32, #tpu.memory_space<vmem_shared>>) offsets(%dma_start3A_489 : memref<128xi32, #tpu.memory_space<vmem>>) semaphore(%arg18 : memref<!tpu.dma_semaphore, #tpu.memory_space<semaphore_mem>>) {add = true}
      } else {
      }
      %add3A_387 = arith.constant 5 : i32
      %add3A_388 = arith.addi %add3A_239, %add3A_387 : i32
      %sub3A_389 = arith.constant 1 : i32
      %sub3A_390 = arith.subi %add3A_388, %sub3A_389 : i32
      %lt3A_391 = arith.constant 2500 : i32
      %lt3A_392 = arith.cmpi slt, %sub3A_390, %lt3A_391 : i32
      %convert_element_type3A_393 = arith.extui %lt3A_392 : i1 to i32
      %cond3A_394 = arith.constant 0 : i32
      %cond3A_395 = arith.cmpi ne, %convert_element_type3A_393, %cond3A_394 : i32
      scf.if %cond3A_395 {
        %add3A_469 = arith.constant 5 : i32
        %add3A_470 = arith.addi %mul3A_242, %add3A_469 : i32
        %sub3A_471 = arith.constant 1 : i32
        %sub3A_472 = arith.subi %add3A_470, %sub3A_471 : i32
        %dma_wait3A_473 = arith.constant 0 : i32
        %dma_wait3A_474 = tpu.memref_slice %arg8[%sub3A_472, %dma_wait3A_473] : memref<40x128xi32, #tpu.memory_space<vmem>> -> memref<1x128xi32, #tpu.memory_space<vmem>>
        %dma_wait3A_475 = tpu.memref_squeeze %dma_wait3A_474 : memref<1x128xi32, #tpu.memory_space<vmem>> -> memref<128xi32, #tpu.memory_space<vmem>>
        %dma_wait3A_476 = arith.constant 0 : i32
        %dma_wait3A_477 = arith.constant 0 : i32
        %dma_wait3A_478 = tpu.memref_slice %arg12[%dma_wait3A_476, %dma_wait3A_477] : memref<10240x128xf32, #tpu.memory_space<vmem_shared>> -> memref<10240x128xf32, #tpu.memory_space<vmem_shared>>
        tpu.wait_indirect_dma semaphore(%arg16 : memref<!tpu.dma_semaphore, #tpu.memory_space<semaphore_mem>>) src(%arg9 : memref<128x128xf32, #tpu.memory_space<vmem>>) dst(%dma_wait3A_478 : memref<10240x128xf32, #tpu.memory_space<vmem_shared>>)
      } else {
      }
      %add3A_396 = arith.constant 5 : i32
      %add3A_397 = arith.addi %add3A_239, %add3A_396 : i32
      %add3A_398 = arith.constant 1 : i32
      %add3A_399 = arith.addi %add3A_397, %add3A_398 : i32
      %lt3A_400 = arith.constant 2500 : i32
      %lt3A_401 = arith.cmpi slt, %add3A_399, %lt3A_400 : i32
      %convert_element_type3A_402 = arith.extui %lt3A_401 : i1 to i32
      %cond3A_403 = arith.constant 0 : i32
      %cond3A_404 = arith.cmpi ne, %convert_element_type3A_402, %cond3A_403 : i32
      scf.if %cond3A_404 {
        %add3A_469 = arith.constant 5 : i32
        %add3A_470 = arith.addi %mul3A_242, %add3A_469 : i32
        %add3A_471 = arith.constant 1 : i32
        %add3A_472 = arith.addi %add3A_470, %add3A_471 : i32
        %dma_start3A_473 = arith.constant 0 : i32
        %dma_start3A_474 = tpu.memref_slice %arg7[%add3A_472, %dma_start3A_473] : memref<40x128xi32, #tpu.memory_space<vmem>> -> memref<1x128xi32, #tpu.memory_space<vmem>>
        %dma_start3A_475 = tpu.memref_squeeze %dma_start3A_474 : memref<1x128xi32, #tpu.memory_space<vmem>> -> memref<128xi32, #tpu.memory_space<vmem>>
        %dma_start3A_476 = arith.constant 0 : i32
        %dma_start3A_477 = arith.constant 0 : i32
        %dma_start3A_478 = tpu.memref_slice %arg4[%dma_start3A_476, %dma_start3A_477] : memref<10000x128xf32, #tpu.memory_space<hbm>> -> memref<10000x128xf32, #tpu.memory_space<hbm>>
        tpu.enqueue_indirect_dma source(%dma_start3A_478 : memref<10000x128xf32, #tpu.memory_space<hbm>>) target(%arg9 : memref<128x128xf32, #tpu.memory_space<vmem>>) offsets(%dma_start3A_475 : memref<128xi32, #tpu.memory_space<vmem>>) semaphore(%arg14 : memref<!tpu.dma_semaphore, #tpu.memory_space<semaphore_mem>>)
      } else {
      }
      %add3A_405 = arith.constant 5 : i32
      %add3A_406 = arith.addi %add3A_239, %add3A_405 : i32
      %lt3A_407 = arith.constant 2500 : i32
      %lt3A_408 = arith.cmpi slt, %add3A_406, %lt3A_407 : i32
      %convert_element_type3A_409 = arith.extui %lt3A_408 : i1 to i32
      %cond3A_410 = arith.constant 0 : i32
      %cond3A_411 = arith.cmpi ne, %convert_element_type3A_409, %cond3A_410 : i32
      scf.if %cond3A_411 {
        %add3A_469 = arith.constant 5 : i32
        %add3A_470 = arith.addi %mul3A_242, %add3A_469 : i32
        %dma_wait3A_471 = arith.constant 0 : i32
        %dma_wait3A_472 = tpu.memref_slice %arg7[%add3A_470, %dma_wait3A_471] : memref<40x128xi32, #tpu.memory_space<vmem>> -> memref<1x128xi32, #tpu.memory_space<vmem>>
        %dma_wait3A_473 = tpu.memref_squeeze %dma_wait3A_472 : memref<1x128xi32, #tpu.memory_space<vmem>> -> memref<128xi32, #tpu.memory_space<vmem>>
        %dma_wait3A_474 = arith.constant 0 : i32
        %dma_wait3A_475 = arith.constant 0 : i32
        %dma_wait3A_476 = tpu.memref_slice %arg4[%dma_wait3A_474, %dma_wait3A_475] : memref<10000x128xf32, #tpu.memory_space<hbm>> -> memref<10000x128xf32, #tpu.memory_space<hbm>>
        tpu.wait_indirect_dma semaphore(%arg15 : memref<!tpu.dma_semaphore, #tpu.memory_space<semaphore_mem>>) src(%dma_wait3A_476 : memref<10000x128xf32, #tpu.memory_space<hbm>>) dst(%arg10 : memref<128x128xf32, #tpu.memory_space<vmem>>)
        %add3A_477 = arith.constant 5 : i32
        %add3A_478 = arith.addi %mul3A_242, %add3A_477 : i32
        %dma_start3A_479 = arith.constant 0 : i32
        %dma_start3A_480 = tpu.memref_slice %arg8[%add3A_478, %dma_start3A_479] : memref<40x128xi32, #tpu.memory_space<vmem>> -> memref<1x128xi32, #tpu.memory_space<vmem>>
        %dma_start3A_481 = tpu.memref_squeeze %dma_start3A_480 : memref<1x128xi32, #tpu.memory_space<vmem>> -> memref<128xi32, #tpu.memory_space<vmem>>
        %dma_start3A_482 = arith.constant 0 : i32
        %dma_start3A_483 = arith.constant 0 : i32
        %dma_start3A_484 = tpu.memref_slice %arg12[%dma_start3A_482, %dma_start3A_483] : memref<10240x128xf32, #tpu.memory_space<vmem_shared>> -> memref<10240x128xf32, #tpu.memory_space<vmem_shared>>
        tpu.enqueue_indirect_dma source(%arg10 : memref<128x128xf32, #tpu.memory_space<vmem>>) target(%dma_start3A_484 : memref<10240x128xf32, #tpu.memory_space<vmem_shared>>) offsets(%dma_start3A_481 : memref<128xi32, #tpu.memory_space<vmem>>) semaphore(%arg17 : memref<!tpu.dma_semaphore, #tpu.memory_space<semaphore_mem>>) {add = true}
        %add3A_485 = arith.constant 5 : i32
        %add3A_486 = arith.addi %mul3A_242, %add3A_485 : i32
        %dma_start3A_487 = arith.constant 0 : i32
        %dma_start3A_488 = tpu.memref_slice %arg8[%add3A_486, %dma_start3A_487] : memref<40x128xi32, #tpu.memory_space<vmem>> -> memref<1x128xi32, #tpu.memory_space<vmem>>
        %dma_start3A_489 = tpu.memref_squeeze %dma_start3A_488 : memref<1x128xi32, #tpu.memory_space<vmem>> -> memref<128xi32, #tpu.memory_space<vmem>>
        %dma_start3A_490 = arith.constant 0 : i32
        %dma_start3A_491 = tpu.memref_slice %arg13[%dma_start3A_490] : memref<10240xf32, #tpu.memory_space<vmem_shared>> -> memref<10240xf32, #tpu.memory_space<vmem_shared>>
        tpu.enqueue_indirect_dma source(%arg11 : memref<128xf32, #tpu.memory_space<vmem>>) target(%dma_start3A_491 : memref<10240xf32, #tpu.memory_space<vmem_shared>>) offsets(%dma_start3A_489 : memref<128xi32, #tpu.memory_space<vmem>>) semaphore(%arg18 : memref<!tpu.dma_semaphore, #tpu.memory_space<semaphore_mem>>) {add = true}
      } else {
      }
      %add3A_412 = arith.constant 6 : i32
      %add3A_413 = arith.addi %add3A_239, %add3A_412 : i32
      %sub3A_414 = arith.constant 1 : i32
      %sub3A_415 = arith.subi %add3A_413, %sub3A_414 : i32
      %lt3A_416 = arith.constant 2500 : i32
      %lt3A_417 = arith.cmpi slt, %sub3A_415, %lt3A_416 : i32
      %convert_element_type3A_418 = arith.extui %lt3A_417 : i1 to i32
      %cond3A_419 = arith.constant 0 : i32
      %cond3A_420 = arith.cmpi ne, %convert_element_type3A_418, %cond3A_419 : i32
      scf.if %cond3A_420 {
        %add3A_469 = arith.constant 6 : i32
        %add3A_470 = arith.addi %mul3A_242, %add3A_469 : i32
        %sub3A_471 = arith.constant 1 : i32
        %sub3A_472 = arith.subi %add3A_470, %sub3A_471 : i32
        %dma_wait3A_473 = arith.constant 0 : i32
        %dma_wait3A_474 = tpu.memref_slice %arg8[%sub3A_472, %dma_wait3A_473] : memref<40x128xi32, #tpu.memory_space<vmem>> -> memref<1x128xi32, #tpu.memory_space<vmem>>
        %dma_wait3A_475 = tpu.memref_squeeze %dma_wait3A_474 : memref<1x128xi32, #tpu.memory_space<vmem>> -> memref<128xi32, #tpu.memory_space<vmem>>
        %dma_wait3A_476 = arith.constant 0 : i32
        %dma_wait3A_477 = arith.constant 0 : i32
        %dma_wait3A_478 = tpu.memref_slice %arg12[%dma_wait3A_476, %dma_wait3A_477] : memref<10240x128xf32, #tpu.memory_space<vmem_shared>> -> memref<10240x128xf32, #tpu.memory_space<vmem_shared>>
        tpu.wait_indirect_dma semaphore(%arg17 : memref<!tpu.dma_semaphore, #tpu.memory_space<semaphore_mem>>) src(%arg10 : memref<128x128xf32, #tpu.memory_space<vmem>>) dst(%dma_wait3A_478 : memref<10240x128xf32, #tpu.memory_space<vmem_shared>>)
      } else {
      }
      %add3A_421 = arith.constant 6 : i32
      %add3A_422 = arith.addi %add3A_239, %add3A_421 : i32
      %add3A_423 = arith.constant 1 : i32
      %add3A_424 = arith.addi %add3A_422, %add3A_423 : i32
      %lt3A_425 = arith.constant 2500 : i32
      %lt3A_426 = arith.cmpi slt, %add3A_424, %lt3A_425 : i32
      %convert_element_type3A_427 = arith.extui %lt3A_426 : i1 to i32
      %cond3A_428 = arith.constant 0 : i32
      %cond3A_429 = arith.cmpi ne, %convert_element_type3A_427, %cond3A_428 : i32
      scf.if %cond3A_429 {
        %add3A_469 = arith.constant 6 : i32
        %add3A_470 = arith.addi %mul3A_242, %add3A_469 : i32
        %add3A_471 = arith.constant 1 : i32
        %add3A_472 = arith.addi %add3A_470, %add3A_471 : i32
        %dma_start3A_473 = arith.constant 0 : i32
        %dma_start3A_474 = tpu.memref_slice %arg7[%add3A_472, %dma_start3A_473] : memref<40x128xi32, #tpu.memory_space<vmem>> -> memref<1x128xi32, #tpu.memory_space<vmem>>
        %dma_start3A_475 = tpu.memref_squeeze %dma_start3A_474 : memref<1x128xi32, #tpu.memory_space<vmem>> -> memref<128xi32, #tpu.memory_space<vmem>>
        %dma_start3A_476 = arith.constant 0 : i32
        %dma_start3A_477 = arith.constant 0 : i32
        %dma_start3A_478 = tpu.memref_slice %arg4[%dma_start3A_476, %dma_start3A_477] : memref<10000x128xf32, #tpu.memory_space<hbm>> -> memref<10000x128xf32, #tpu.memory_space<hbm>>
        tpu.enqueue_indirect_dma source(%dma_start3A_478 : memref<10000x128xf32, #tpu.memory_space<hbm>>) target(%arg10 : memref<128x128xf32, #tpu.memory_space<vmem>>) offsets(%dma_start3A_475 : memref<128xi32, #tpu.memory_space<vmem>>) semaphore(%arg15 : memref<!tpu.dma_semaphore, #tpu.memory_space<semaphore_mem>>)
      } else {
      }
      %add3A_430 = arith.constant 6 : i32
      %add3A_431 = arith.addi %add3A_239, %add3A_430 : i32
      %lt3A_432 = arith.constant 2500 : i32
      %lt3A_433 = arith.cmpi slt, %add3A_431, %lt3A_432 : i32
      %convert_element_type3A_434 = arith.extui %lt3A_433 : i1 to i32
      %cond3A_435 = arith.constant 0 : i32
      %cond3A_436 = arith.cmpi ne, %convert_element_type3A_434, %cond3A_435 : i32
      scf.if %cond3A_436 {
        %add3A_469 = arith.constant 6 : i32
        %add3A_470 = arith.addi %mul3A_242, %add3A_469 : i32
        %dma_wait3A_471 = arith.constant 0 : i32
        %dma_wait3A_472 = tpu.memref_slice %arg7[%add3A_470, %dma_wait3A_471] : memref<40x128xi32, #tpu.memory_space<vmem>> -> memref<1x128xi32, #tpu.memory_space<vmem>>
        %dma_wait3A_473 = tpu.memref_squeeze %dma_wait3A_472 : memref<1x128xi32, #tpu.memory_space<vmem>> -> memref<128xi32, #tpu.memory_space<vmem>>
        %dma_wait3A_474 = arith.constant 0 : i32
        %dma_wait3A_475 = arith.constant 0 : i32
        %dma_wait3A_476 = tpu.memref_slice %arg4[%dma_wait3A_474, %dma_wait3A_475] : memref<10000x128xf32, #tpu.memory_space<hbm>> -> memref<10000x128xf32, #tpu.memory_space<hbm>>
        tpu.wait_indirect_dma semaphore(%arg14 : memref<!tpu.dma_semaphore, #tpu.memory_space<semaphore_mem>>) src(%dma_wait3A_476 : memref<10000x128xf32, #tpu.memory_space<hbm>>) dst(%arg9 : memref<128x128xf32, #tpu.memory_space<vmem>>)
        %add3A_477 = arith.constant 6 : i32
        %add3A_478 = arith.addi %mul3A_242, %add3A_477 : i32
        %dma_start3A_479 = arith.constant 0 : i32
        %dma_start3A_480 = tpu.memref_slice %arg8[%add3A_478, %dma_start3A_479] : memref<40x128xi32, #tpu.memory_space<vmem>> -> memref<1x128xi32, #tpu.memory_space<vmem>>
        %dma_start3A_481 = tpu.memref_squeeze %dma_start3A_480 : memref<1x128xi32, #tpu.memory_space<vmem>> -> memref<128xi32, #tpu.memory_space<vmem>>
        %dma_start3A_482 = arith.constant 0 : i32
        %dma_start3A_483 = arith.constant 0 : i32
        %dma_start3A_484 = tpu.memref_slice %arg12[%dma_start3A_482, %dma_start3A_483] : memref<10240x128xf32, #tpu.memory_space<vmem_shared>> -> memref<10240x128xf32, #tpu.memory_space<vmem_shared>>
        tpu.enqueue_indirect_dma source(%arg9 : memref<128x128xf32, #tpu.memory_space<vmem>>) target(%dma_start3A_484 : memref<10240x128xf32, #tpu.memory_space<vmem_shared>>) offsets(%dma_start3A_481 : memref<128xi32, #tpu.memory_space<vmem>>) semaphore(%arg16 : memref<!tpu.dma_semaphore, #tpu.memory_space<semaphore_mem>>) {add = true}
        %add3A_485 = arith.constant 6 : i32
        %add3A_486 = arith.addi %mul3A_242, %add3A_485 : i32
        %dma_start3A_487 = arith.constant 0 : i32
        %dma_start3A_488 = tpu.memref_slice %arg8[%add3A_486, %dma_start3A_487] : memref<40x128xi32, #tpu.memory_space<vmem>> -> memref<1x128xi32, #tpu.memory_space<vmem>>
        %dma_start3A_489 = tpu.memref_squeeze %dma_start3A_488 : memref<1x128xi32, #tpu.memory_space<vmem>> -> memref<128xi32, #tpu.memory_space<vmem>>
        %dma_start3A_490 = arith.constant 0 : i32
        %dma_start3A_491 = tpu.memref_slice %arg13[%dma_start3A_490] : memref<10240xf32, #tpu.memory_space<vmem_shared>> -> memref<10240xf32, #tpu.memory_space<vmem_shared>>
        tpu.enqueue_indirect_dma source(%arg11 : memref<128xf32, #tpu.memory_space<vmem>>) target(%dma_start3A_491 : memref<10240xf32, #tpu.memory_space<vmem_shared>>) offsets(%dma_start3A_489 : memref<128xi32, #tpu.memory_space<vmem>>) semaphore(%arg18 : memref<!tpu.dma_semaphore, #tpu.memory_space<semaphore_mem>>) {add = true}
      } else {
      }
      %add3A_437 = arith.constant 7 : i32
      %add3A_438 = arith.addi %add3A_239, %add3A_437 : i32
      %sub3A_439 = arith.constant 1 : i32
      %sub3A_440 = arith.subi %add3A_438, %sub3A_439 : i32
      %lt3A_441 = arith.constant 2500 : i32
      %lt3A_442 = arith.cmpi slt, %sub3A_440, %lt3A_441 : i32
      %convert_element_type3A_443 = arith.extui %lt3A_442 : i1 to i32
      %cond3A_444 = arith.constant 0 : i32
      %cond3A_445 = arith.cmpi ne, %convert_element_type3A_443, %cond3A_444 : i32
      scf.if %cond3A_445 {
        %add3A_469 = arith.constant 7 : i32
        %add3A_470 = arith.addi %mul3A_242, %add3A_469 : i32
        %sub3A_471 = arith.constant 1 : i32
        %sub3A_472 = arith.subi %add3A_470, %sub3A_471 : i32
        %dma_wait3A_473 = arith.constant 0 : i32
        %dma_wait3A_474 = tpu.memref_slice %arg8[%sub3A_472, %dma_wait3A_473] : memref<40x128xi32, #tpu.memory_space<vmem>> -> memref<1x128xi32, #tpu.memory_space<vmem>>
        %dma_wait3A_475 = tpu.memref_squeeze %dma_wait3A_474 : memref<1x128xi32, #tpu.memory_space<vmem>> -> memref<128xi32, #tpu.memory_space<vmem>>
        %dma_wait3A_476 = arith.constant 0 : i32
        %dma_wait3A_477 = arith.constant 0 : i32
        %dma_wait3A_478 = tpu.memref_slice %arg12[%dma_wait3A_476, %dma_wait3A_477] : memref<10240x128xf32, #tpu.memory_space<vmem_shared>> -> memref<10240x128xf32, #tpu.memory_space<vmem_shared>>
        tpu.wait_indirect_dma semaphore(%arg16 : memref<!tpu.dma_semaphore, #tpu.memory_space<semaphore_mem>>) src(%arg9 : memref<128x128xf32, #tpu.memory_space<vmem>>) dst(%dma_wait3A_478 : memref<10240x128xf32, #tpu.memory_space<vmem_shared>>)
      } else {
      }
      %lt3A_446 = arith.constant 4 : i32
      %lt3A_447 = arith.cmpi slt, %rem3A_240, %lt3A_446 : i32
      %add3A_448 = arith.constant 8 : i32
      %add3A_449 = arith.addi %add3A_239, %add3A_448 : i32
      %lt3A_450 = arith.constant 2500 : i32
      %lt3A_451 = arith.cmpi slt, %add3A_449, %lt3A_450 : i32
      %and3A_452 = arith.andi %lt3A_447, %lt3A_451 : i1
      %convert_element_type3A_453 = arith.extui %and3A_452 : i1 to i32
      %cond3A_454 = arith.constant 0 : i32
      %cond3A_455 = arith.cmpi ne, %convert_element_type3A_453, %cond3A_454 : i32
      scf.if %cond3A_455 {
        %add3A_469 = arith.constant 8 : i32
        %add3A_470 = arith.addi %mul3A_242, %add3A_469 : i32
        %dma_start3A_471 = arith.constant 0 : i32
        %dma_start3A_472 = tpu.memref_slice %arg7[%add3A_470, %dma_start3A_471] : memref<40x128xi32, #tpu.memory_space<vmem>> -> memref<1x128xi32, #tpu.memory_space<vmem>>
        %dma_start3A_473 = tpu.memref_squeeze %dma_start3A_472 : memref<1x128xi32, #tpu.memory_space<vmem>> -> memref<128xi32, #tpu.memory_space<vmem>>
        %dma_start3A_474 = arith.constant 0 : i32
        %dma_start3A_475 = arith.constant 0 : i32
        %dma_start3A_476 = tpu.memref_slice %arg4[%dma_start3A_474, %dma_start3A_475] : memref<10000x128xf32, #tpu.memory_space<hbm>> -> memref<10000x128xf32, #tpu.memory_space<hbm>>
        tpu.enqueue_indirect_dma source(%dma_start3A_476 : memref<10000x128xf32, #tpu.memory_space<hbm>>) target(%arg9 : memref<128x128xf32, #tpu.memory_space<vmem>>) offsets(%dma_start3A_473 : memref<128xi32, #tpu.memory_space<vmem>>) semaphore(%arg14 : memref<!tpu.dma_semaphore, #tpu.memory_space<semaphore_mem>>)
      } else {
      }
      %add3A_456 = arith.constant 7 : i32
      %add3A_457 = arith.addi %add3A_239, %add3A_456 : i32
      %lt3A_458 = arith.constant 2500 : i32
      %lt3A_459 = arith.cmpi slt, %add3A_457, %lt3A_458 : i32
      %convert_element_type3A_460 = arith.extui %lt3A_459 : i1 to i32
      %cond3A_461 = arith.constant 0 : i32
      %cond3A_462 = arith.cmpi ne, %convert_element_type3A_460, %cond3A_461 : i32
      scf.if %cond3A_462 {
        %add3A_469 = arith.constant 7 : i32
        %add3A_470 = arith.addi %mul3A_242, %add3A_469 : i32
        %dma_wait3A_471 = arith.constant 0 : i32
        %dma_wait3A_472 = tpu.memref_slice %arg7[%add3A_470, %dma_wait3A_471] : memref<40x128xi32, #tpu.memory_space<vmem>> -> memref<1x128xi32, #tpu.memory_space<vmem>>
        %dma_wait3A_473 = tpu.memref_squeeze %dma_wait3A_472 : memref<1x128xi32, #tpu.memory_space<vmem>> -> memref<128xi32, #tpu.memory_space<vmem>>
        %dma_wait3A_474 = arith.constant 0 : i32
        %dma_wait3A_475 = arith.constant 0 : i32
        %dma_wait3A_476 = tpu.memref_slice %arg4[%dma_wait3A_474, %dma_wait3A_475] : memref<10000x128xf32, #tpu.memory_space<hbm>> -> memref<10000x128xf32, #tpu.memory_space<hbm>>
        tpu.wait_indirect_dma semaphore(%arg15 : memref<!tpu.dma_semaphore, #tpu.memory_space<semaphore_mem>>) src(%dma_wait3A_476 : memref<10000x128xf32, #tpu.memory_space<hbm>>) dst(%arg10 : memref<128x128xf32, #tpu.memory_space<vmem>>)
        %add3A_477 = arith.constant 7 : i32
        %add3A_478 = arith.addi %mul3A_242, %add3A_477 : i32
        %dma_start3A_479 = arith.constant 0 : i32
        %dma_start3A_480 = tpu.memref_slice %arg8[%add3A_478, %dma_start3A_479] : memref<40x128xi32, #tpu.memory_space<vmem>> -> memref<1x128xi32, #tpu.memory_space<vmem>>
        %dma_start3A_481 = tpu.memref_squeeze %dma_start3A_480 : memref<1x128xi32, #tpu.memory_space<vmem>> -> memref<128xi32, #tpu.memory_space<vmem>>
        %dma_start3A_482 = arith.constant 0 : i32
        %dma_start3A_483 = arith.constant 0 : i32
        %dma_start3A_484 = tpu.memref_slice %arg12[%dma_start3A_482, %dma_start3A_483] : memref<10240x128xf32, #tpu.memory_space<vmem_shared>> -> memref<10240x128xf32, #tpu.memory_space<vmem_shared>>
        tpu.enqueue_indirect_dma source(%arg10 : memref<128x128xf32, #tpu.memory_space<vmem>>) target(%dma_start3A_484 : memref<10240x128xf32, #tpu.memory_space<vmem_shared>>) offsets(%dma_start3A_481 : memref<128xi32, #tpu.memory_space<vmem>>) semaphore(%arg17 : memref<!tpu.dma_semaphore, #tpu.memory_space<semaphore_mem>>) {add = true}
        %add3A_485 = arith.constant 7 : i32
        %add3A_486 = arith.addi %mul3A_242, %add3A_485 : i32
        %dma_start3A_487 = arith.constant 0 : i32
        %dma_start3A_488 = tpu.memref_slice %arg8[%add3A_486, %dma_start3A_487] : memref<40x128xi32, #tpu.memory_space<vmem>> -> memref<1x128xi32, #tpu.memory_space<vmem>>
        %dma_start3A_489 = tpu.memref_squeeze %dma_start3A_488 : memref<1x128xi32, #tpu.memory_space<vmem>> -> memref<128xi32, #tpu.memory_space<vmem>>
        %dma_start3A_490 = arith.constant 0 : i32
        %dma_start3A_491 = tpu.memref_slice %arg13[%dma_start3A_490] : memref<10240xf32, #tpu.memory_space<vmem_shared>> -> memref<10240xf32, #tpu.memory_space<vmem_shared>>
        tpu.enqueue_indirect_dma source(%arg11 : memref<128xf32, #tpu.memory_space<vmem>>) target(%dma_start3A_491 : memref<10240xf32, #tpu.memory_space<vmem_shared>>) offsets(%dma_start3A_489 : memref<128xi32, #tpu.memory_space<vmem>>) semaphore(%arg18 : memref<!tpu.dma_semaphore, #tpu.memory_space<semaphore_mem>>) {add = true}
      } else {
      }
      %eq3A_463 = arith.constant 4 : i32
      %eq3A_464 = arith.cmpi eq, %rem3A_240, %eq3A_463 : i32
      %convert_element_type3A_465 = arith.extui %eq3A_464 : i1 to i32
      %cond3A_466 = arith.constant 0 : i32
      %cond3A_467 = arith.cmpi ne, %convert_element_type3A_465, %cond3A_466 : i32
      scf.if %cond3A_467 {
        %add3A_469 = arith.constant 8 : i32
        %add3A_470 = arith.addi %add3A_239, %add3A_469 : i32
        %sub3A_471 = arith.constant 1 : i32
        %sub3A_472 = arith.subi %add3A_470, %sub3A_471 : i32
        %lt3A_473 = arith.constant 2500 : i32
        %lt3A_474 = arith.cmpi slt, %sub3A_472, %lt3A_473 : i32
        %convert_element_type3A_475 = arith.extui %lt3A_474 : i1 to i32
        %cond3A_476 = arith.constant 0 : i32
        %cond3A_477 = arith.cmpi ne, %convert_element_type3A_475, %cond3A_476 : i32
        scf.if %cond3A_477 {
          %add3A_758 = arith.constant 8 : i32
          %add3A_759 = arith.addi %mul3A_242, %add3A_758 : i32
          %sub3A_760 = arith.constant 1 : i32
          %sub3A_761 = arith.subi %add3A_759, %sub3A_760 : i32
          %dma_wait3A_762 = arith.constant 0 : i32
          %dma_wait3A_763 = tpu.memref_slice %arg8[%sub3A_761, %dma_wait3A_762] : memref<40x128xi32, #tpu.memory_space<vmem>> -> memref<1x128xi32, #tpu.memory_space<vmem>>
          %dma_wait3A_764 = tpu.memref_squeeze %dma_wait3A_763 : memref<1x128xi32, #tpu.memory_space<vmem>> -> memref<128xi32, #tpu.memory_space<vmem>>
          %dma_wait3A_765 = arith.constant 0 : i32
          %dma_wait3A_766 = arith.constant 0 : i32
          %dma_wait3A_767 = tpu.memref_slice %arg12[%dma_wait3A_765, %dma_wait3A_766] : memref<10240x128xf32, #tpu.memory_space<vmem_shared>> -> memref<10240x128xf32, #tpu.memory_space<vmem_shared>>
          tpu.wait_indirect_dma semaphore(%arg17 : memref<!tpu.dma_semaphore, #tpu.memory_space<semaphore_mem>>) src(%arg10 : memref<128x128xf32, #tpu.memory_space<vmem>>) dst(%dma_wait3A_767 : memref<10240x128xf32, #tpu.memory_space<vmem_shared>>)
        } else {
        }
        %add3A_478 = arith.constant 0 : i32
        %add3A_479 = arith.addi %sub3A, %add3A_478 : i32
        %lt3A_480 = arith.constant 2500 : i32
        %lt3A_481 = arith.cmpi slt, %add3A_479, %lt3A_480 : i32
        %convert_element_type3A_482 = arith.extui %lt3A_481 : i1 to i32
        %cond3A_483 = arith.constant 0 : i32
        %cond3A_484 = arith.cmpi ne, %convert_element_type3A_482, %cond3A_483 : i32
        scf.if %cond3A_484 {
          %dma_wait3A_758 = arith.constant 0 : i32
          %dma_wait3A_759 = arith.constant 0 : i32
          %dma_wait3A_760 = tpu.memref_slice %arg8[%dma_wait3A_758, %dma_wait3A_759] : memref<40x128xi32, #tpu.memory_space<vmem>> -> memref<1x128xi32, #tpu.memory_space<vmem>>
          %dma_wait3A_761 = tpu.memref_squeeze %dma_wait3A_760 : memref<1x128xi32, #tpu.memory_space<vmem>> -> memref<128xi32, #tpu.memory_space<vmem>>
          %dma_wait3A_762 = arith.constant 0 : i32
          %dma_wait3A_763 = tpu.memref_slice %arg13[%dma_wait3A_762] : memref<10240xf32, #tpu.memory_space<vmem_shared>> -> memref<10240xf32, #tpu.memory_space<vmem_shared>>
          tpu.wait_indirect_dma semaphore(%arg18 : memref<!tpu.dma_semaphore, #tpu.memory_space<semaphore_mem>>) src(%arg11 : memref<128xf32, #tpu.memory_space<vmem>>) dst(%dma_wait3A_763 : memref<10240xf32, #tpu.memory_space<vmem_shared>>)
        } else {
        }
        %add3A_485 = arith.constant 1 : i32
        %add3A_486 = arith.addi %sub3A, %add3A_485 : i32
        %lt3A_487 = arith.constant 2500 : i32
        %lt3A_488 = arith.cmpi slt, %add3A_486, %lt3A_487 : i32
        %convert_element_type3A_489 = arith.extui %lt3A_488 : i1 to i32
        %cond3A_490 = arith.constant 0 : i32
        %cond3A_491 = arith.cmpi ne, %convert_element_type3A_489, %cond3A_490 : i32
        scf.if %cond3A_491 {
          %dma_wait3A_758 = arith.constant 1 : i32
          %dma_wait3A_759 = arith.constant 0 : i32
          %dma_wait3A_760 = tpu.memref_slice %arg8[%dma_wait3A_758, %dma_wait3A_759] : memref<40x128xi32, #tpu.memory_space<vmem>> -> memref<1x128xi32, #tpu.memory_space<vmem>>
          %dma_wait3A_761 = tpu.memref_squeeze %dma_wait3A_760 : memref<1x128xi32, #tpu.memory_space<vmem>> -> memref<128xi32, #tpu.memory_space<vmem>>
          %dma_wait3A_762 = arith.constant 0 : i32
          %dma_wait3A_763 = tpu.memref_slice %arg13[%dma_wait3A_762] : memref<10240xf32, #tpu.memory_space<vmem_shared>> -> memref<10240xf32, #tpu.memory_space<vmem_shared>>
          tpu.wait_indirect_dma semaphore(%arg18 : memref<!tpu.dma_semaphore, #tpu.memory_space<semaphore_mem>>) src(%arg11 : memref<128xf32, #tpu.memory_space<vmem>>) dst(%dma_wait3A_763 : memref<10240xf32, #tpu.memory_space<vmem_shared>>)
        } else {
        }
        %add3A_492 = arith.constant 2 : i32
        %add3A_493 = arith.addi %sub3A, %add3A_492 : i32
        %lt3A_494 = arith.constant 2500 : i32
        %lt3A_495 = arith.cmpi slt, %add3A_493, %lt3A_494 : i32
        %convert_element_type3A_496 = arith.extui %lt3A_495 : i1 to i32
        %cond3A_497 = arith.constant 0 : i32
        %cond3A_498 = arith.cmpi ne, %convert_element_type3A_496, %cond3A_497 : i32
        scf.if %cond3A_498 {
          %dma_wait3A_758 = arith.constant 2 : i32
          %dma_wait3A_759 = arith.constant 0 : i32
          %dma_wait3A_760 = tpu.memref_slice %arg8[%dma_wait3A_758, %dma_wait3A_759] : memref<40x128xi32, #tpu.memory_space<vmem>> -> memref<1x128xi32, #tpu.memory_space<vmem>>
          %dma_wait3A_761 = tpu.memref_squeeze %dma_wait3A_760 : memref<1x128xi32, #tpu.memory_space<vmem>> -> memref<128xi32, #tpu.memory_space<vmem>>
          %dma_wait3A_762 = arith.constant 0 : i32
          %dma_wait3A_763 = tpu.memref_slice %arg13[%dma_wait3A_762] : memref<10240xf32, #tpu.memory_space<vmem_shared>> -> memref<10240xf32, #tpu.memory_space<vmem_shared>>
          tpu.wait_indirect_dma semaphore(%arg18 : memref<!tpu.dma_semaphore, #tpu.memory_space<semaphore_mem>>) src(%arg11 : memref<128xf32, #tpu.memory_space<vmem>>) dst(%dma_wait3A_763 : memref<10240xf32, #tpu.memory_space<vmem_shared>>)
        } else {
        }
        %add3A_499 = arith.constant 3 : i32
        %add3A_500 = arith.addi %sub3A, %add3A_499 : i32
        %lt3A_501 = arith.constant 2500 : i32
        %lt3A_502 = arith.cmpi slt, %add3A_500, %lt3A_501 : i32
        %convert_element_type3A_503 = arith.extui %lt3A_502 : i1 to i32
        %cond3A_504 = arith.constant 0 : i32
        %cond3A_505 = arith.cmpi ne, %convert_element_type3A_503, %cond3A_504 : i32
        scf.if %cond3A_505 {
          %dma_wait3A_758 = arith.constant 3 : i32
          %dma_wait3A_759 = arith.constant 0 : i32
          %dma_wait3A_760 = tpu.memref_slice %arg8[%dma_wait3A_758, %dma_wait3A_759] : memref<40x128xi32, #tpu.memory_space<vmem>> -> memref<1x128xi32, #tpu.memory_space<vmem>>
          %dma_wait3A_761 = tpu.memref_squeeze %dma_wait3A_760 : memref<1x128xi32, #tpu.memory_space<vmem>> -> memref<128xi32, #tpu.memory_space<vmem>>
          %dma_wait3A_762 = arith.constant 0 : i32
          %dma_wait3A_763 = tpu.memref_slice %arg13[%dma_wait3A_762] : memref<10240xf32, #tpu.memory_space<vmem_shared>> -> memref<10240xf32, #tpu.memory_space<vmem_shared>>
          tpu.wait_indirect_dma semaphore(%arg18 : memref<!tpu.dma_semaphore, #tpu.memory_space<semaphore_mem>>) src(%arg11 : memref<128xf32, #tpu.memory_space<vmem>>) dst(%dma_wait3A_763 : memref<10240xf32, #tpu.memory_space<vmem_shared>>)
        } else {
        }
        %add3A_506 = arith.constant 4 : i32
        %add3A_507 = arith.addi %sub3A, %add3A_506 : i32
        %lt3A_508 = arith.constant 2500 : i32
        %lt3A_509 = arith.cmpi slt, %add3A_507, %lt3A_508 : i32
        %convert_element_type3A_510 = arith.extui %lt3A_509 : i1 to i32
        %cond3A_511 = arith.constant 0 : i32
        %cond3A_512 = arith.cmpi ne, %convert_element_type3A_510, %cond3A_511 : i32
        scf.if %cond3A_512 {
          %dma_wait3A_758 = arith.constant 4 : i32
          %dma_wait3A_759 = arith.constant 0 : i32
          %dma_wait3A_760 = tpu.memref_slice %arg8[%dma_wait3A_758, %dma_wait3A_759] : memref<40x128xi32, #tpu.memory_space<vmem>> -> memref<1x128xi32, #tpu.memory_space<vmem>>
          %dma_wait3A_761 = tpu.memref_squeeze %dma_wait3A_760 : memref<1x128xi32, #tpu.memory_space<vmem>> -> memref<128xi32, #tpu.memory_space<vmem>>
          %dma_wait3A_762 = arith.constant 0 : i32
          %dma_wait3A_763 = tpu.memref_slice %arg13[%dma_wait3A_762] : memref<10240xf32, #tpu.memory_space<vmem_shared>> -> memref<10240xf32, #tpu.memory_space<vmem_shared>>
          tpu.wait_indirect_dma semaphore(%arg18 : memref<!tpu.dma_semaphore, #tpu.memory_space<semaphore_mem>>) src(%arg11 : memref<128xf32, #tpu.memory_space<vmem>>) dst(%dma_wait3A_763 : memref<10240xf32, #tpu.memory_space<vmem_shared>>)
        } else {
        }
        %add3A_513 = arith.constant 5 : i32
        %add3A_514 = arith.addi %sub3A, %add3A_513 : i32
        %lt3A_515 = arith.constant 2500 : i32
        %lt3A_516 = arith.cmpi slt, %add3A_514, %lt3A_515 : i32
        %convert_element_type3A_517 = arith.extui %lt3A_516 : i1 to i32
        %cond3A_518 = arith.constant 0 : i32
        %cond3A_519 = arith.cmpi ne, %convert_element_type3A_517, %cond3A_518 : i32
        scf.if %cond3A_519 {
          %dma_wait3A_758 = arith.constant 5 : i32
          %dma_wait3A_759 = arith.constant 0 : i32
          %dma_wait3A_760 = tpu.memref_slice %arg8[%dma_wait3A_758, %dma_wait3A_759] : memref<40x128xi32, #tpu.memory_space<vmem>> -> memref<1x128xi32, #tpu.memory_space<vmem>>
          %dma_wait3A_761 = tpu.memref_squeeze %dma_wait3A_760 : memref<1x128xi32, #tpu.memory_space<vmem>> -> memref<128xi32, #tpu.memory_space<vmem>>
          %dma_wait3A_762 = arith.constant 0 : i32
          %dma_wait3A_763 = tpu.memref_slice %arg13[%dma_wait3A_762] : memref<10240xf32, #tpu.memory_space<vmem_shared>> -> memref<10240xf32, #tpu.memory_space<vmem_shared>>
          tpu.wait_indirect_dma semaphore(%arg18 : memref<!tpu.dma_semaphore, #tpu.memory_space<semaphore_mem>>) src(%arg11 : memref<128xf32, #tpu.memory_space<vmem>>) dst(%dma_wait3A_763 : memref<10240xf32, #tpu.memory_space<vmem_shared>>)
        } else {
        }
        %add3A_520 = arith.constant 6 : i32
        %add3A_521 = arith.addi %sub3A, %add3A_520 : i32
        %lt3A_522 = arith.constant 2500 : i32
        %lt3A_523 = arith.cmpi slt, %add3A_521, %lt3A_522 : i32
        %convert_element_type3A_524 = arith.extui %lt3A_523 : i1 to i32
        %cond3A_525 = arith.constant 0 : i32
        %cond3A_526 = arith.cmpi ne, %convert_element_type3A_524, %cond3A_525 : i32
        scf.if %cond3A_526 {
          %dma_wait3A_758 = arith.constant 6 : i32
          %dma_wait3A_759 = arith.constant 0 : i32
          %dma_wait3A_760 = tpu.memref_slice %arg8[%dma_wait3A_758, %dma_wait3A_759] : memref<40x128xi32, #tpu.memory_space<vmem>> -> memref<1x128xi32, #tpu.memory_space<vmem>>
          %dma_wait3A_761 = tpu.memref_squeeze %dma_wait3A_760 : memref<1x128xi32, #tpu.memory_space<vmem>> -> memref<128xi32, #tpu.memory_space<vmem>>
          %dma_wait3A_762 = arith.constant 0 : i32
          %dma_wait3A_763 = tpu.memref_slice %arg13[%dma_wait3A_762] : memref<10240xf32, #tpu.memory_space<vmem_shared>> -> memref<10240xf32, #tpu.memory_space<vmem_shared>>
          tpu.wait_indirect_dma semaphore(%arg18 : memref<!tpu.dma_semaphore, #tpu.memory_space<semaphore_mem>>) src(%arg11 : memref<128xf32, #tpu.memory_space<vmem>>) dst(%dma_wait3A_763 : memref<10240xf32, #tpu.memory_space<vmem_shared>>)
        } else {
        }
        %add3A_527 = arith.constant 7 : i32
        %add3A_528 = arith.addi %sub3A, %add3A_527 : i32
        %lt3A_529 = arith.constant 2500 : i32
        %lt3A_530 = arith.cmpi slt, %add3A_528, %lt3A_529 : i32
        %convert_element_type3A_531 = arith.extui %lt3A_530 : i1 to i32
        %cond3A_532 = arith.constant 0 : i32
        %cond3A_533 = arith.cmpi ne, %convert_element_type3A_531, %cond3A_532 : i32
        scf.if %cond3A_533 {
          %dma_wait3A_758 = arith.constant 7 : i32
          %dma_wait3A_759 = arith.constant 0 : i32
          %dma_wait3A_760 = tpu.memref_slice %arg8[%dma_wait3A_758, %dma_wait3A_759] : memref<40x128xi32, #tpu.memory_space<vmem>> -> memref<1x128xi32, #tpu.memory_space<vmem>>
          %dma_wait3A_761 = tpu.memref_squeeze %dma_wait3A_760 : memref<1x128xi32, #tpu.memory_space<vmem>> -> memref<128xi32, #tpu.memory_space<vmem>>
          %dma_wait3A_762 = arith.constant 0 : i32
          %dma_wait3A_763 = tpu.memref_slice %arg13[%dma_wait3A_762] : memref<10240xf32, #tpu.memory_space<vmem_shared>> -> memref<10240xf32, #tpu.memory_space<vmem_shared>>
          tpu.wait_indirect_dma semaphore(%arg18 : memref<!tpu.dma_semaphore, #tpu.memory_space<semaphore_mem>>) src(%arg11 : memref<128xf32, #tpu.memory_space<vmem>>) dst(%dma_wait3A_763 : memref<10240xf32, #tpu.memory_space<vmem_shared>>)
        } else {
        }
        %add3A_534 = arith.constant 8 : i32
        %add3A_535 = arith.addi %sub3A, %add3A_534 : i32
        %lt3A_536 = arith.constant 2500 : i32
        %lt3A_537 = arith.cmpi slt, %add3A_535, %lt3A_536 : i32
        %convert_element_type3A_538 = arith.extui %lt3A_537 : i1 to i32
        %cond3A_539 = arith.constant 0 : i32
        %cond3A_540 = arith.cmpi ne, %convert_element_type3A_538, %cond3A_539 : i32
        scf.if %cond3A_540 {
          %dma_wait3A_758 = arith.constant 8 : i32
          %dma_wait3A_759 = arith.constant 0 : i32
          %dma_wait3A_760 = tpu.memref_slice %arg8[%dma_wait3A_758, %dma_wait3A_759] : memref<40x128xi32, #tpu.memory_space<vmem>> -> memref<1x128xi32, #tpu.memory_space<vmem>>
          %dma_wait3A_761 = tpu.memref_squeeze %dma_wait3A_760 : memref<1x128xi32, #tpu.memory_space<vmem>> -> memref<128xi32, #tpu.memory_space<vmem>>
          %dma_wait3A_762 = arith.constant 0 : i32
          %dma_wait3A_763 = tpu.memref_slice %arg13[%dma_wait3A_762] : memref<10240xf32, #tpu.memory_space<vmem_shared>> -> memref<10240xf32, #tpu.memory_space<vmem_shared>>
          tpu.wait_indirect_dma semaphore(%arg18 : memref<!tpu.dma_semaphore, #tpu.memory_space<semaphore_mem>>) src(%arg11 : memref<128xf32, #tpu.memory_space<vmem>>) dst(%dma_wait3A_763 : memref<10240xf32, #tpu.memory_space<vmem_shared>>)
        } else {
        }
        %add3A_541 = arith.constant 9 : i32
        %add3A_542 = arith.addi %sub3A, %add3A_541 : i32
        %lt3A_543 = arith.constant 2500 : i32
        %lt3A_544 = arith.cmpi slt, %add3A_542, %lt3A_543 : i32
        %convert_element_type3A_545 = arith.extui %lt3A_544 : i1 to i32
        %cond3A_546 = arith.constant 0 : i32
        %cond3A_547 = arith.cmpi ne, %convert_element_type3A_545, %cond3A_546 : i32
        scf.if %cond3A_547 {
          %dma_wait3A_758 = arith.constant 9 : i32
          %dma_wait3A_759 = arith.constant 0 : i32
          %dma_wait3A_760 = tpu.memref_slice %arg8[%dma_wait3A_758, %dma_wait3A_759] : memref<40x128xi32, #tpu.memory_space<vmem>> -> memref<1x128xi32, #tpu.memory_space<vmem>>
          %dma_wait3A_761 = tpu.memref_squeeze %dma_wait3A_760 : memref<1x128xi32, #tpu.memory_space<vmem>> -> memref<128xi32, #tpu.memory_space<vmem>>
          %dma_wait3A_762 = arith.constant 0 : i32
          %dma_wait3A_763 = tpu.memref_slice %arg13[%dma_wait3A_762] : memref<10240xf32, #tpu.memory_space<vmem_shared>> -> memref<10240xf32, #tpu.memory_space<vmem_shared>>
          tpu.wait_indirect_dma semaphore(%arg18 : memref<!tpu.dma_semaphore, #tpu.memory_space<semaphore_mem>>) src(%arg11 : memref<128xf32, #tpu.memory_space<vmem>>) dst(%dma_wait3A_763 : memref<10240xf32, #tpu.memory_space<vmem_shared>>)
        } else {
        }
        %add3A_548 = arith.constant 10 : i32
        %add3A_549 = arith.addi %sub3A, %add3A_548 : i32
        %lt3A_550 = arith.constant 2500 : i32
        %lt3A_551 = arith.cmpi slt, %add3A_549, %lt3A_550 : i32
        %convert_element_type3A_552 = arith.extui %lt3A_551 : i1 to i32
        %cond3A_553 = arith.constant 0 : i32
        %cond3A_554 = arith.cmpi ne, %convert_element_type3A_552, %cond3A_553 : i32
        scf.if %cond3A_554 {
          %dma_wait3A_758 = arith.constant 10 : i32
          %dma_wait3A_759 = arith.constant 0 : i32
          %dma_wait3A_760 = tpu.memref_slice %arg8[%dma_wait3A_758, %dma_wait3A_759] : memref<40x128xi32, #tpu.memory_space<vmem>> -> memref<1x128xi32, #tpu.memory_space<vmem>>
          %dma_wait3A_761 = tpu.memref_squeeze %dma_wait3A_760 : memref<1x128xi32, #tpu.memory_space<vmem>> -> memref<128xi32, #tpu.memory_space<vmem>>
          %dma_wait3A_762 = arith.constant 0 : i32
          %dma_wait3A_763 = tpu.memref_slice %arg13[%dma_wait3A_762] : memref<10240xf32, #tpu.memory_space<vmem_shared>> -> memref<10240xf32, #tpu.memory_space<vmem_shared>>
          tpu.wait_indirect_dma semaphore(%arg18 : memref<!tpu.dma_semaphore, #tpu.memory_space<semaphore_mem>>) src(%arg11 : memref<128xf32, #tpu.memory_space<vmem>>) dst(%dma_wait3A_763 : memref<10240xf32, #tpu.memory_space<vmem_shared>>)
        } else {
        }
        %add3A_555 = arith.constant 11 : i32
        %add3A_556 = arith.addi %sub3A, %add3A_555 : i32
        %lt3A_557 = arith.constant 2500 : i32
        %lt3A_558 = arith.cmpi slt, %add3A_556, %lt3A_557 : i32
        %convert_element_type3A_559 = arith.extui %lt3A_558 : i1 to i32
        %cond3A_560 = arith.constant 0 : i32
        %cond3A_561 = arith.cmpi ne, %convert_element_type3A_559, %cond3A_560 : i32
        scf.if %cond3A_561 {
          %dma_wait3A_758 = arith.constant 11 : i32
          %dma_wait3A_759 = arith.constant 0 : i32
          %dma_wait3A_760 = tpu.memref_slice %arg8[%dma_wait3A_758, %dma_wait3A_759] : memref<40x128xi32, #tpu.memory_space<vmem>> -> memref<1x128xi32, #tpu.memory_space<vmem>>
          %dma_wait3A_761 = tpu.memref_squeeze %dma_wait3A_760 : memref<1x128xi32, #tpu.memory_space<vmem>> -> memref<128xi32, #tpu.memory_space<vmem>>
          %dma_wait3A_762 = arith.constant 0 : i32
          %dma_wait3A_763 = tpu.memref_slice %arg13[%dma_wait3A_762] : memref<10240xf32, #tpu.memory_space<vmem_shared>> -> memref<10240xf32, #tpu.memory_space<vmem_shared>>
          tpu.wait_indirect_dma semaphore(%arg18 : memref<!tpu.dma_semaphore, #tpu.memory_space<semaphore_mem>>) src(%arg11 : memref<128xf32, #tpu.memory_space<vmem>>) dst(%dma_wait3A_763 : memref<10240xf32, #tpu.memory_space<vmem_shared>>)
        } else {
        }
        %add3A_562 = arith.constant 12 : i32
        %add3A_563 = arith.addi %sub3A, %add3A_562 : i32
        %lt3A_564 = arith.constant 2500 : i32
        %lt3A_565 = arith.cmpi slt, %add3A_563, %lt3A_564 : i32
        %convert_element_type3A_566 = arith.extui %lt3A_565 : i1 to i32
        %cond3A_567 = arith.constant 0 : i32
        %cond3A_568 = arith.cmpi ne, %convert_element_type3A_566, %cond3A_567 : i32
        scf.if %cond3A_568 {
          %dma_wait3A_758 = arith.constant 12 : i32
          %dma_wait3A_759 = arith.constant 0 : i32
          %dma_wait3A_760 = tpu.memref_slice %arg8[%dma_wait3A_758, %dma_wait3A_759] : memref<40x128xi32, #tpu.memory_space<vmem>> -> memref<1x128xi32, #tpu.memory_space<vmem>>
          %dma_wait3A_761 = tpu.memref_squeeze %dma_wait3A_760 : memref<1x128xi32, #tpu.memory_space<vmem>> -> memref<128xi32, #tpu.memory_space<vmem>>
          %dma_wait3A_762 = arith.constant 0 : i32
          %dma_wait3A_763 = tpu.memref_slice %arg13[%dma_wait3A_762] : memref<10240xf32, #tpu.memory_space<vmem_shared>> -> memref<10240xf32, #tpu.memory_space<vmem_shared>>
          tpu.wait_indirect_dma semaphore(%arg18 : memref<!tpu.dma_semaphore, #tpu.memory_space<semaphore_mem>>) src(%arg11 : memref<128xf32, #tpu.memory_space<vmem>>) dst(%dma_wait3A_763 : memref<10240xf32, #tpu.memory_space<vmem_shared>>)
        } else {
        }
        %add3A_569 = arith.constant 13 : i32
        %add3A_570 = arith.addi %sub3A, %add3A_569 : i32
        %lt3A_571 = arith.constant 2500 : i32
        %lt3A_572 = arith.cmpi slt, %add3A_570, %lt3A_571 : i32
        %convert_element_type3A_573 = arith.extui %lt3A_572 : i1 to i32
        %cond3A_574 = arith.constant 0 : i32
        %cond3A_575 = arith.cmpi ne, %convert_element_type3A_573, %cond3A_574 : i32
        scf.if %cond3A_575 {
          %dma_wait3A_758 = arith.constant 13 : i32
          %dma_wait3A_759 = arith.constant 0 : i32
          %dma_wait3A_760 = tpu.memref_slice %arg8[%dma_wait3A_758, %dma_wait3A_759] : memref<40x128xi32, #tpu.memory_space<vmem>> -> memref<1x128xi32, #tpu.memory_space<vmem>>
          %dma_wait3A_761 = tpu.memref_squeeze %dma_wait3A_760 : memref<1x128xi32, #tpu.memory_space<vmem>> -> memref<128xi32, #tpu.memory_space<vmem>>
          %dma_wait3A_762 = arith.constant 0 : i32
          %dma_wait3A_763 = tpu.memref_slice %arg13[%dma_wait3A_762] : memref<10240xf32, #tpu.memory_space<vmem_shared>> -> memref<10240xf32, #tpu.memory_space<vmem_shared>>
          tpu.wait_indirect_dma semaphore(%arg18 : memref<!tpu.dma_semaphore, #tpu.memory_space<semaphore_mem>>) src(%arg11 : memref<128xf32, #tpu.memory_space<vmem>>) dst(%dma_wait3A_763 : memref<10240xf32, #tpu.memory_space<vmem_shared>>)
        } else {
        }
        %add3A_576 = arith.constant 14 : i32
        %add3A_577 = arith.addi %sub3A, %add3A_576 : i32
        %lt3A_578 = arith.constant 2500 : i32
        %lt3A_579 = arith.cmpi slt, %add3A_577, %lt3A_578 : i32
        %convert_element_type3A_580 = arith.extui %lt3A_579 : i1 to i32
        %cond3A_581 = arith.constant 0 : i32
        %cond3A_582 = arith.cmpi ne, %convert_element_type3A_580, %cond3A_581 : i32
        scf.if %cond3A_582 {
          %dma_wait3A_758 = arith.constant 14 : i32
          %dma_wait3A_759 = arith.constant 0 : i32
          %dma_wait3A_760 = tpu.memref_slice %arg8[%dma_wait3A_758, %dma_wait3A_759] : memref<40x128xi32, #tpu.memory_space<vmem>> -> memref<1x128xi32, #tpu.memory_space<vmem>>
          %dma_wait3A_761 = tpu.memref_squeeze %dma_wait3A_760 : memref<1x128xi32, #tpu.memory_space<vmem>> -> memref<128xi32, #tpu.memory_space<vmem>>
          %dma_wait3A_762 = arith.constant 0 : i32
          %dma_wait3A_763 = tpu.memref_slice %arg13[%dma_wait3A_762] : memref<10240xf32, #tpu.memory_space<vmem_shared>> -> memref<10240xf32, #tpu.memory_space<vmem_shared>>
          tpu.wait_indirect_dma semaphore(%arg18 : memref<!tpu.dma_semaphore, #tpu.memory_space<semaphore_mem>>) src(%arg11 : memref<128xf32, #tpu.memory_space<vmem>>) dst(%dma_wait3A_763 : memref<10240xf32, #tpu.memory_space<vmem_shared>>)
        } else {
        }
        %add3A_583 = arith.constant 15 : i32
        %add3A_584 = arith.addi %sub3A, %add3A_583 : i32
        %lt3A_585 = arith.constant 2500 : i32
        %lt3A_586 = arith.cmpi slt, %add3A_584, %lt3A_585 : i32
        %convert_element_type3A_587 = arith.extui %lt3A_586 : i1 to i32
        %cond3A_588 = arith.constant 0 : i32
        %cond3A_589 = arith.cmpi ne, %convert_element_type3A_587, %cond3A_588 : i32
        scf.if %cond3A_589 {
          %dma_wait3A_758 = arith.constant 15 : i32
          %dma_wait3A_759 = arith.constant 0 : i32
          %dma_wait3A_760 = tpu.memref_slice %arg8[%dma_wait3A_758, %dma_wait3A_759] : memref<40x128xi32, #tpu.memory_space<vmem>> -> memref<1x128xi32, #tpu.memory_space<vmem>>
          %dma_wait3A_761 = tpu.memref_squeeze %dma_wait3A_760 : memref<1x128xi32, #tpu.memory_space<vmem>> -> memref<128xi32, #tpu.memory_space<vmem>>
          %dma_wait3A_762 = arith.constant 0 : i32
          %dma_wait3A_763 = tpu.memref_slice %arg13[%dma_wait3A_762] : memref<10240xf32, #tpu.memory_space<vmem_shared>> -> memref<10240xf32, #tpu.memory_space<vmem_shared>>
          tpu.wait_indirect_dma semaphore(%arg18 : memref<!tpu.dma_semaphore, #tpu.memory_space<semaphore_mem>>) src(%arg11 : memref<128xf32, #tpu.memory_space<vmem>>) dst(%dma_wait3A_763 : memref<10240xf32, #tpu.memory_space<vmem_shared>>)
        } else {
        }
        %add3A_590 = arith.constant 16 : i32
        %add3A_591 = arith.addi %sub3A, %add3A_590 : i32
        %lt3A_592 = arith.constant 2500 : i32
        %lt3A_593 = arith.cmpi slt, %add3A_591, %lt3A_592 : i32
        %convert_element_type3A_594 = arith.extui %lt3A_593 : i1 to i32
        %cond3A_595 = arith.constant 0 : i32
        %cond3A_596 = arith.cmpi ne, %convert_element_type3A_594, %cond3A_595 : i32
        scf.if %cond3A_596 {
          %dma_wait3A_758 = arith.constant 16 : i32
          %dma_wait3A_759 = arith.constant 0 : i32
          %dma_wait3A_760 = tpu.memref_slice %arg8[%dma_wait3A_758, %dma_wait3A_759] : memref<40x128xi32, #tpu.memory_space<vmem>> -> memref<1x128xi32, #tpu.memory_space<vmem>>
          %dma_wait3A_761 = tpu.memref_squeeze %dma_wait3A_760 : memref<1x128xi32, #tpu.memory_space<vmem>> -> memref<128xi32, #tpu.memory_space<vmem>>
          %dma_wait3A_762 = arith.constant 0 : i32
          %dma_wait3A_763 = tpu.memref_slice %arg13[%dma_wait3A_762] : memref<10240xf32, #tpu.memory_space<vmem_shared>> -> memref<10240xf32, #tpu.memory_space<vmem_shared>>
          tpu.wait_indirect_dma semaphore(%arg18 : memref<!tpu.dma_semaphore, #tpu.memory_space<semaphore_mem>>) src(%arg11 : memref<128xf32, #tpu.memory_space<vmem>>) dst(%dma_wait3A_763 : memref<10240xf32, #tpu.memory_space<vmem_shared>>)
        } else {
        }
        %add3A_597 = arith.constant 17 : i32
        %add3A_598 = arith.addi %sub3A, %add3A_597 : i32
        %lt3A_599 = arith.constant 2500 : i32
        %lt3A_600 = arith.cmpi slt, %add3A_598, %lt3A_599 : i32
        %convert_element_type3A_601 = arith.extui %lt3A_600 : i1 to i32
        %cond3A_602 = arith.constant 0 : i32
        %cond3A_603 = arith.cmpi ne, %convert_element_type3A_601, %cond3A_602 : i32
        scf.if %cond3A_603 {
          %dma_wait3A_758 = arith.constant 17 : i32
          %dma_wait3A_759 = arith.constant 0 : i32
          %dma_wait3A_760 = tpu.memref_slice %arg8[%dma_wait3A_758, %dma_wait3A_759] : memref<40x128xi32, #tpu.memory_space<vmem>> -> memref<1x128xi32, #tpu.memory_space<vmem>>
          %dma_wait3A_761 = tpu.memref_squeeze %dma_wait3A_760 : memref<1x128xi32, #tpu.memory_space<vmem>> -> memref<128xi32, #tpu.memory_space<vmem>>
          %dma_wait3A_762 = arith.constant 0 : i32
          %dma_wait3A_763 = tpu.memref_slice %arg13[%dma_wait3A_762] : memref<10240xf32, #tpu.memory_space<vmem_shared>> -> memref<10240xf32, #tpu.memory_space<vmem_shared>>
          tpu.wait_indirect_dma semaphore(%arg18 : memref<!tpu.dma_semaphore, #tpu.memory_space<semaphore_mem>>) src(%arg11 : memref<128xf32, #tpu.memory_space<vmem>>) dst(%dma_wait3A_763 : memref<10240xf32, #tpu.memory_space<vmem_shared>>)
        } else {
        }
        %add3A_604 = arith.constant 18 : i32
        %add3A_605 = arith.addi %sub3A, %add3A_604 : i32
        %lt3A_606 = arith.constant 2500 : i32
        %lt3A_607 = arith.cmpi slt, %add3A_605, %lt3A_606 : i32
        %convert_element_type3A_608 = arith.extui %lt3A_607 : i1 to i32
        %cond3A_609 = arith.constant 0 : i32
        %cond3A_610 = arith.cmpi ne, %convert_element_type3A_608, %cond3A_609 : i32
        scf.if %cond3A_610 {
          %dma_wait3A_758 = arith.constant 18 : i32
          %dma_wait3A_759 = arith.constant 0 : i32
          %dma_wait3A_760 = tpu.memref_slice %arg8[%dma_wait3A_758, %dma_wait3A_759] : memref<40x128xi32, #tpu.memory_space<vmem>> -> memref<1x128xi32, #tpu.memory_space<vmem>>
          %dma_wait3A_761 = tpu.memref_squeeze %dma_wait3A_760 : memref<1x128xi32, #tpu.memory_space<vmem>> -> memref<128xi32, #tpu.memory_space<vmem>>
          %dma_wait3A_762 = arith.constant 0 : i32
          %dma_wait3A_763 = tpu.memref_slice %arg13[%dma_wait3A_762] : memref<10240xf32, #tpu.memory_space<vmem_shared>> -> memref<10240xf32, #tpu.memory_space<vmem_shared>>
          tpu.wait_indirect_dma semaphore(%arg18 : memref<!tpu.dma_semaphore, #tpu.memory_space<semaphore_mem>>) src(%arg11 : memref<128xf32, #tpu.memory_space<vmem>>) dst(%dma_wait3A_763 : memref<10240xf32, #tpu.memory_space<vmem_shared>>)
        } else {
        }
        %add3A_611 = arith.constant 19 : i32
        %add3A_612 = arith.addi %sub3A, %add3A_611 : i32
        %lt3A_613 = arith.constant 2500 : i32
        %lt3A_614 = arith.cmpi slt, %add3A_612, %lt3A_613 : i32
        %convert_element_type3A_615 = arith.extui %lt3A_614 : i1 to i32
        %cond3A_616 = arith.constant 0 : i32
        %cond3A_617 = arith.cmpi ne, %convert_element_type3A_615, %cond3A_616 : i32
        scf.if %cond3A_617 {
          %dma_wait3A_758 = arith.constant 19 : i32
          %dma_wait3A_759 = arith.constant 0 : i32
          %dma_wait3A_760 = tpu.memref_slice %arg8[%dma_wait3A_758, %dma_wait3A_759] : memref<40x128xi32, #tpu.memory_space<vmem>> -> memref<1x128xi32, #tpu.memory_space<vmem>>
          %dma_wait3A_761 = tpu.memref_squeeze %dma_wait3A_760 : memref<1x128xi32, #tpu.memory_space<vmem>> -> memref<128xi32, #tpu.memory_space<vmem>>
          %dma_wait3A_762 = arith.constant 0 : i32
          %dma_wait3A_763 = tpu.memref_slice %arg13[%dma_wait3A_762] : memref<10240xf32, #tpu.memory_space<vmem_shared>> -> memref<10240xf32, #tpu.memory_space<vmem_shared>>
          tpu.wait_indirect_dma semaphore(%arg18 : memref<!tpu.dma_semaphore, #tpu.memory_space<semaphore_mem>>) src(%arg11 : memref<128xf32, #tpu.memory_space<vmem>>) dst(%dma_wait3A_763 : memref<10240xf32, #tpu.memory_space<vmem_shared>>)
        } else {
        }
        %add3A_618 = arith.constant 20 : i32
        %add3A_619 = arith.addi %sub3A, %add3A_618 : i32
        %lt3A_620 = arith.constant 2500 : i32
        %lt3A_621 = arith.cmpi slt, %add3A_619, %lt3A_620 : i32
        %convert_element_type3A_622 = arith.extui %lt3A_621 : i1 to i32
        %cond3A_623 = arith.constant 0 : i32
        %cond3A_624 = arith.cmpi ne, %convert_element_type3A_622, %cond3A_623 : i32
        scf.if %cond3A_624 {
          %dma_wait3A_758 = arith.constant 20 : i32
          %dma_wait3A_759 = arith.constant 0 : i32
          %dma_wait3A_760 = tpu.memref_slice %arg8[%dma_wait3A_758, %dma_wait3A_759] : memref<40x128xi32, #tpu.memory_space<vmem>> -> memref<1x128xi32, #tpu.memory_space<vmem>>
          %dma_wait3A_761 = tpu.memref_squeeze %dma_wait3A_760 : memref<1x128xi32, #tpu.memory_space<vmem>> -> memref<128xi32, #tpu.memory_space<vmem>>
          %dma_wait3A_762 = arith.constant 0 : i32
          %dma_wait3A_763 = tpu.memref_slice %arg13[%dma_wait3A_762] : memref<10240xf32, #tpu.memory_space<vmem_shared>> -> memref<10240xf32, #tpu.memory_space<vmem_shared>>
          tpu.wait_indirect_dma semaphore(%arg18 : memref<!tpu.dma_semaphore, #tpu.memory_space<semaphore_mem>>) src(%arg11 : memref<128xf32, #tpu.memory_space<vmem>>) dst(%dma_wait3A_763 : memref<10240xf32, #tpu.memory_space<vmem_shared>>)
        } else {
        }
        %add3A_625 = arith.constant 21 : i32
        %add3A_626 = arith.addi %sub3A, %add3A_625 : i32
        %lt3A_627 = arith.constant 2500 : i32
        %lt3A_628 = arith.cmpi slt, %add3A_626, %lt3A_627 : i32
        %convert_element_type3A_629 = arith.extui %lt3A_628 : i1 to i32
        %cond3A_630 = arith.constant 0 : i32
        %cond3A_631 = arith.cmpi ne, %convert_element_type3A_629, %cond3A_630 : i32
        scf.if %cond3A_631 {
          %dma_wait3A_758 = arith.constant 21 : i32
          %dma_wait3A_759 = arith.constant 0 : i32
          %dma_wait3A_760 = tpu.memref_slice %arg8[%dma_wait3A_758, %dma_wait3A_759] : memref<40x128xi32, #tpu.memory_space<vmem>> -> memref<1x128xi32, #tpu.memory_space<vmem>>
          %dma_wait3A_761 = tpu.memref_squeeze %dma_wait3A_760 : memref<1x128xi32, #tpu.memory_space<vmem>> -> memref<128xi32, #tpu.memory_space<vmem>>
          %dma_wait3A_762 = arith.constant 0 : i32
          %dma_wait3A_763 = tpu.memref_slice %arg13[%dma_wait3A_762] : memref<10240xf32, #tpu.memory_space<vmem_shared>> -> memref<10240xf32, #tpu.memory_space<vmem_shared>>
          tpu.wait_indirect_dma semaphore(%arg18 : memref<!tpu.dma_semaphore, #tpu.memory_space<semaphore_mem>>) src(%arg11 : memref<128xf32, #tpu.memory_space<vmem>>) dst(%dma_wait3A_763 : memref<10240xf32, #tpu.memory_space<vmem_shared>>)
        } else {
        }
        %add3A_632 = arith.constant 22 : i32
        %add3A_633 = arith.addi %sub3A, %add3A_632 : i32
        %lt3A_634 = arith.constant 2500 : i32
        %lt3A_635 = arith.cmpi slt, %add3A_633, %lt3A_634 : i32
        %convert_element_type3A_636 = arith.extui %lt3A_635 : i1 to i32
        %cond3A_637 = arith.constant 0 : i32
        %cond3A_638 = arith.cmpi ne, %convert_element_type3A_636, %cond3A_637 : i32
        scf.if %cond3A_638 {
          %dma_wait3A_758 = arith.constant 22 : i32
          %dma_wait3A_759 = arith.constant 0 : i32
          %dma_wait3A_760 = tpu.memref_slice %arg8[%dma_wait3A_758, %dma_wait3A_759] : memref<40x128xi32, #tpu.memory_space<vmem>> -> memref<1x128xi32, #tpu.memory_space<vmem>>
          %dma_wait3A_761 = tpu.memref_squeeze %dma_wait3A_760 : memref<1x128xi32, #tpu.memory_space<vmem>> -> memref<128xi32, #tpu.memory_space<vmem>>
          %dma_wait3A_762 = arith.constant 0 : i32
          %dma_wait3A_763 = tpu.memref_slice %arg13[%dma_wait3A_762] : memref<10240xf32, #tpu.memory_space<vmem_shared>> -> memref<10240xf32, #tpu.memory_space<vmem_shared>>
          tpu.wait_indirect_dma semaphore(%arg18 : memref<!tpu.dma_semaphore, #tpu.memory_space<semaphore_mem>>) src(%arg11 : memref<128xf32, #tpu.memory_space<vmem>>) dst(%dma_wait3A_763 : memref<10240xf32, #tpu.memory_space<vmem_shared>>)
        } else {
        }
        %add3A_639 = arith.constant 23 : i32
        %add3A_640 = arith.addi %sub3A, %add3A_639 : i32
        %lt3A_641 = arith.constant 2500 : i32
        %lt3A_642 = arith.cmpi slt, %add3A_640, %lt3A_641 : i32
        %convert_element_type3A_643 = arith.extui %lt3A_642 : i1 to i32
        %cond3A_644 = arith.constant 0 : i32
        %cond3A_645 = arith.cmpi ne, %convert_element_type3A_643, %cond3A_644 : i32
        scf.if %cond3A_645 {
          %dma_wait3A_758 = arith.constant 23 : i32
          %dma_wait3A_759 = arith.constant 0 : i32
          %dma_wait3A_760 = tpu.memref_slice %arg8[%dma_wait3A_758, %dma_wait3A_759] : memref<40x128xi32, #tpu.memory_space<vmem>> -> memref<1x128xi32, #tpu.memory_space<vmem>>
          %dma_wait3A_761 = tpu.memref_squeeze %dma_wait3A_760 : memref<1x128xi32, #tpu.memory_space<vmem>> -> memref<128xi32, #tpu.memory_space<vmem>>
          %dma_wait3A_762 = arith.constant 0 : i32
          %dma_wait3A_763 = tpu.memref_slice %arg13[%dma_wait3A_762] : memref<10240xf32, #tpu.memory_space<vmem_shared>> -> memref<10240xf32, #tpu.memory_space<vmem_shared>>
          tpu.wait_indirect_dma semaphore(%arg18 : memref<!tpu.dma_semaphore, #tpu.memory_space<semaphore_mem>>) src(%arg11 : memref<128xf32, #tpu.memory_space<vmem>>) dst(%dma_wait3A_763 : memref<10240xf32, #tpu.memory_space<vmem_shared>>)
        } else {
        }
        %add3A_646 = arith.constant 24 : i32
        %add3A_647 = arith.addi %sub3A, %add3A_646 : i32
        %lt3A_648 = arith.constant 2500 : i32
        %lt3A_649 = arith.cmpi slt, %add3A_647, %lt3A_648 : i32
        %convert_element_type3A_650 = arith.extui %lt3A_649 : i1 to i32
        %cond3A_651 = arith.constant 0 : i32
        %cond3A_652 = arith.cmpi ne, %convert_element_type3A_650, %cond3A_651 : i32
        scf.if %cond3A_652 {
          %dma_wait3A_758 = arith.constant 24 : i32
          %dma_wait3A_759 = arith.constant 0 : i32
          %dma_wait3A_760 = tpu.memref_slice %arg8[%dma_wait3A_758, %dma_wait3A_759] : memref<40x128xi32, #tpu.memory_space<vmem>> -> memref<1x128xi32, #tpu.memory_space<vmem>>
          %dma_wait3A_761 = tpu.memref_squeeze %dma_wait3A_760 : memref<1x128xi32, #tpu.memory_space<vmem>> -> memref<128xi32, #tpu.memory_space<vmem>>
          %dma_wait3A_762 = arith.constant 0 : i32
          %dma_wait3A_763 = tpu.memref_slice %arg13[%dma_wait3A_762] : memref<10240xf32, #tpu.memory_space<vmem_shared>> -> memref<10240xf32, #tpu.memory_space<vmem_shared>>
          tpu.wait_indirect_dma semaphore(%arg18 : memref<!tpu.dma_semaphore, #tpu.memory_space<semaphore_mem>>) src(%arg11 : memref<128xf32, #tpu.memory_space<vmem>>) dst(%dma_wait3A_763 : memref<10240xf32, #tpu.memory_space<vmem_shared>>)
        } else {
        }
        %add3A_653 = arith.constant 25 : i32
        %add3A_654 = arith.addi %sub3A, %add3A_653 : i32
        %lt3A_655 = arith.constant 2500 : i32
        %lt3A_656 = arith.cmpi slt, %add3A_654, %lt3A_655 : i32
        %convert_element_type3A_657 = arith.extui %lt3A_656 : i1 to i32
        %cond3A_658 = arith.constant 0 : i32
        %cond3A_659 = arith.cmpi ne, %convert_element_type3A_657, %cond3A_658 : i32
        scf.if %cond3A_659 {
          %dma_wait3A_758 = arith.constant 25 : i32
          %dma_wait3A_759 = arith.constant 0 : i32
          %dma_wait3A_760 = tpu.memref_slice %arg8[%dma_wait3A_758, %dma_wait3A_759] : memref<40x128xi32, #tpu.memory_space<vmem>> -> memref<1x128xi32, #tpu.memory_space<vmem>>
          %dma_wait3A_761 = tpu.memref_squeeze %dma_wait3A_760 : memref<1x128xi32, #tpu.memory_space<vmem>> -> memref<128xi32, #tpu.memory_space<vmem>>
          %dma_wait3A_762 = arith.constant 0 : i32
          %dma_wait3A_763 = tpu.memref_slice %arg13[%dma_wait3A_762] : memref<10240xf32, #tpu.memory_space<vmem_shared>> -> memref<10240xf32, #tpu.memory_space<vmem_shared>>
          tpu.wait_indirect_dma semaphore(%arg18 : memref<!tpu.dma_semaphore, #tpu.memory_space<semaphore_mem>>) src(%arg11 : memref<128xf32, #tpu.memory_space<vmem>>) dst(%dma_wait3A_763 : memref<10240xf32, #tpu.memory_space<vmem_shared>>)
        } else {
        }
        %add3A_660 = arith.constant 26 : i32
        %add3A_661 = arith.addi %sub3A, %add3A_660 : i32
        %lt3A_662 = arith.constant 2500 : i32
        %lt3A_663 = arith.cmpi slt, %add3A_661, %lt3A_662 : i32
        %convert_element_type3A_664 = arith.extui %lt3A_663 : i1 to i32
        %cond3A_665 = arith.constant 0 : i32
        %cond3A_666 = arith.cmpi ne, %convert_element_type3A_664, %cond3A_665 : i32
        scf.if %cond3A_666 {
          %dma_wait3A_758 = arith.constant 26 : i32
          %dma_wait3A_759 = arith.constant 0 : i32
          %dma_wait3A_760 = tpu.memref_slice %arg8[%dma_wait3A_758, %dma_wait3A_759] : memref<40x128xi32, #tpu.memory_space<vmem>> -> memref<1x128xi32, #tpu.memory_space<vmem>>
          %dma_wait3A_761 = tpu.memref_squeeze %dma_wait3A_760 : memref<1x128xi32, #tpu.memory_space<vmem>> -> memref<128xi32, #tpu.memory_space<vmem>>
          %dma_wait3A_762 = arith.constant 0 : i32
          %dma_wait3A_763 = tpu.memref_slice %arg13[%dma_wait3A_762] : memref<10240xf32, #tpu.memory_space<vmem_shared>> -> memref<10240xf32, #tpu.memory_space<vmem_shared>>
          tpu.wait_indirect_dma semaphore(%arg18 : memref<!tpu.dma_semaphore, #tpu.memory_space<semaphore_mem>>) src(%arg11 : memref<128xf32, #tpu.memory_space<vmem>>) dst(%dma_wait3A_763 : memref<10240xf32, #tpu.memory_space<vmem_shared>>)
        } else {
        }
        %add3A_667 = arith.constant 27 : i32
        %add3A_668 = arith.addi %sub3A, %add3A_667 : i32
        %lt3A_669 = arith.constant 2500 : i32
        %lt3A_670 = arith.cmpi slt, %add3A_668, %lt3A_669 : i32
        %convert_element_type3A_671 = arith.extui %lt3A_670 : i1 to i32
        %cond3A_672 = arith.constant 0 : i32
        %cond3A_673 = arith.cmpi ne, %convert_element_type3A_671, %cond3A_672 : i32
        scf.if %cond3A_673 {
          %dma_wait3A_758 = arith.constant 27 : i32
          %dma_wait3A_759 = arith.constant 0 : i32
          %dma_wait3A_760 = tpu.memref_slice %arg8[%dma_wait3A_758, %dma_wait3A_759] : memref<40x128xi32, #tpu.memory_space<vmem>> -> memref<1x128xi32, #tpu.memory_space<vmem>>
          %dma_wait3A_761 = tpu.memref_squeeze %dma_wait3A_760 : memref<1x128xi32, #tpu.memory_space<vmem>> -> memref<128xi32, #tpu.memory_space<vmem>>
          %dma_wait3A_762 = arith.constant 0 : i32
          %dma_wait3A_763 = tpu.memref_slice %arg13[%dma_wait3A_762] : memref<10240xf32, #tpu.memory_space<vmem_shared>> -> memref<10240xf32, #tpu.memory_space<vmem_shared>>
          tpu.wait_indirect_dma semaphore(%arg18 : memref<!tpu.dma_semaphore, #tpu.memory_space<semaphore_mem>>) src(%arg11 : memref<128xf32, #tpu.memory_space<vmem>>) dst(%dma_wait3A_763 : memref<10240xf32, #tpu.memory_space<vmem_shared>>)
        } else {
        }
        %add3A_674 = arith.constant 28 : i32
        %add3A_675 = arith.addi %sub3A, %add3A_674 : i32
        %lt3A_676 = arith.constant 2500 : i32
        %lt3A_677 = arith.cmpi slt, %add3A_675, %lt3A_676 : i32
        %convert_element_type3A_678 = arith.extui %lt3A_677 : i1 to i32
        %cond3A_679 = arith.constant 0 : i32
        %cond3A_680 = arith.cmpi ne, %convert_element_type3A_678, %cond3A_679 : i32
        scf.if %cond3A_680 {
          %dma_wait3A_758 = arith.constant 28 : i32
          %dma_wait3A_759 = arith.constant 0 : i32
          %dma_wait3A_760 = tpu.memref_slice %arg8[%dma_wait3A_758, %dma_wait3A_759] : memref<40x128xi32, #tpu.memory_space<vmem>> -> memref<1x128xi32, #tpu.memory_space<vmem>>
          %dma_wait3A_761 = tpu.memref_squeeze %dma_wait3A_760 : memref<1x128xi32, #tpu.memory_space<vmem>> -> memref<128xi32, #tpu.memory_space<vmem>>
          %dma_wait3A_762 = arith.constant 0 : i32
          %dma_wait3A_763 = tpu.memref_slice %arg13[%dma_wait3A_762] : memref<10240xf32, #tpu.memory_space<vmem_shared>> -> memref<10240xf32, #tpu.memory_space<vmem_shared>>
          tpu.wait_indirect_dma semaphore(%arg18 : memref<!tpu.dma_semaphore, #tpu.memory_space<semaphore_mem>>) src(%arg11 : memref<128xf32, #tpu.memory_space<vmem>>) dst(%dma_wait3A_763 : memref<10240xf32, #tpu.memory_space<vmem_shared>>)
        } else {
        }
        %add3A_681 = arith.constant 29 : i32
        %add3A_682 = arith.addi %sub3A, %add3A_681 : i32
        %lt3A_683 = arith.constant 2500 : i32
        %lt3A_684 = arith.cmpi slt, %add3A_682, %lt3A_683 : i32
        %convert_element_type3A_685 = arith.extui %lt3A_684 : i1 to i32
        %cond3A_686 = arith.constant 0 : i32
        %cond3A_687 = arith.cmpi ne, %convert_element_type3A_685, %cond3A_686 : i32
        scf.if %cond3A_687 {
          %dma_wait3A_758 = arith.constant 29 : i32
          %dma_wait3A_759 = arith.constant 0 : i32
          %dma_wait3A_760 = tpu.memref_slice %arg8[%dma_wait3A_758, %dma_wait3A_759] : memref<40x128xi32, #tpu.memory_space<vmem>> -> memref<1x128xi32, #tpu.memory_space<vmem>>
          %dma_wait3A_761 = tpu.memref_squeeze %dma_wait3A_760 : memref<1x128xi32, #tpu.memory_space<vmem>> -> memref<128xi32, #tpu.memory_space<vmem>>
          %dma_wait3A_762 = arith.constant 0 : i32
          %dma_wait3A_763 = tpu.memref_slice %arg13[%dma_wait3A_762] : memref<10240xf32, #tpu.memory_space<vmem_shared>> -> memref<10240xf32, #tpu.memory_space<vmem_shared>>
          tpu.wait_indirect_dma semaphore(%arg18 : memref<!tpu.dma_semaphore, #tpu.memory_space<semaphore_mem>>) src(%arg11 : memref<128xf32, #tpu.memory_space<vmem>>) dst(%dma_wait3A_763 : memref<10240xf32, #tpu.memory_space<vmem_shared>>)
        } else {
        }
        %add3A_688 = arith.constant 30 : i32
        %add3A_689 = arith.addi %sub3A, %add3A_688 : i32
        %lt3A_690 = arith.constant 2500 : i32
        %lt3A_691 = arith.cmpi slt, %add3A_689, %lt3A_690 : i32
        %convert_element_type3A_692 = arith.extui %lt3A_691 : i1 to i32
        %cond3A_693 = arith.constant 0 : i32
        %cond3A_694 = arith.cmpi ne, %convert_element_type3A_692, %cond3A_693 : i32
        scf.if %cond3A_694 {
          %dma_wait3A_758 = arith.constant 30 : i32
          %dma_wait3A_759 = arith.constant 0 : i32
          %dma_wait3A_760 = tpu.memref_slice %arg8[%dma_wait3A_758, %dma_wait3A_759] : memref<40x128xi32, #tpu.memory_space<vmem>> -> memref<1x128xi32, #tpu.memory_space<vmem>>
          %dma_wait3A_761 = tpu.memref_squeeze %dma_wait3A_760 : memref<1x128xi32, #tpu.memory_space<vmem>> -> memref<128xi32, #tpu.memory_space<vmem>>
          %dma_wait3A_762 = arith.constant 0 : i32
          %dma_wait3A_763 = tpu.memref_slice %arg13[%dma_wait3A_762] : memref<10240xf32, #tpu.memory_space<vmem_shared>> -> memref<10240xf32, #tpu.memory_space<vmem_shared>>
          tpu.wait_indirect_dma semaphore(%arg18 : memref<!tpu.dma_semaphore, #tpu.memory_space<semaphore_mem>>) src(%arg11 : memref<128xf32, #tpu.memory_space<vmem>>) dst(%dma_wait3A_763 : memref<10240xf32, #tpu.memory_space<vmem_shared>>)
        } else {
        }
        %add3A_695 = arith.constant 31 : i32
        %add3A_696 = arith.addi %sub3A, %add3A_695 : i32
        %lt3A_697 = arith.constant 2500 : i32
        %lt3A_698 = arith.cmpi slt, %add3A_696, %lt3A_697 : i32
        %convert_element_type3A_699 = arith.extui %lt3A_698 : i1 to i32
        %cond3A_700 = arith.constant 0 : i32
        %cond3A_701 = arith.cmpi ne, %convert_element_type3A_699, %cond3A_700 : i32
        scf.if %cond3A_701 {
          %dma_wait3A_758 = arith.constant 31 : i32
          %dma_wait3A_759 = arith.constant 0 : i32
          %dma_wait3A_760 = tpu.memref_slice %arg8[%dma_wait3A_758, %dma_wait3A_759] : memref<40x128xi32, #tpu.memory_space<vmem>> -> memref<1x128xi32, #tpu.memory_space<vmem>>
          %dma_wait3A_761 = tpu.memref_squeeze %dma_wait3A_760 : memref<1x128xi32, #tpu.memory_space<vmem>> -> memref<128xi32, #tpu.memory_space<vmem>>
          %dma_wait3A_762 = arith.constant 0 : i32
          %dma_wait3A_763 = tpu.memref_slice %arg13[%dma_wait3A_762] : memref<10240xf32, #tpu.memory_space<vmem_shared>> -> memref<10240xf32, #tpu.memory_space<vmem_shared>>
          tpu.wait_indirect_dma semaphore(%arg18 : memref<!tpu.dma_semaphore, #tpu.memory_space<semaphore_mem>>) src(%arg11 : memref<128xf32, #tpu.memory_space<vmem>>) dst(%dma_wait3A_763 : memref<10240xf32, #tpu.memory_space<vmem_shared>>)
        } else {
        }
        %add3A_702 = arith.constant 32 : i32
        %add3A_703 = arith.addi %sub3A, %add3A_702 : i32
        %lt3A_704 = arith.constant 2500 : i32
        %lt3A_705 = arith.cmpi slt, %add3A_703, %lt3A_704 : i32
        %convert_element_type3A_706 = arith.extui %lt3A_705 : i1 to i32
        %cond3A_707 = arith.constant 0 : i32
        %cond3A_708 = arith.cmpi ne, %convert_element_type3A_706, %cond3A_707 : i32
        scf.if %cond3A_708 {
          %dma_wait3A_758 = arith.constant 32 : i32
          %dma_wait3A_759 = arith.constant 0 : i32
          %dma_wait3A_760 = tpu.memref_slice %arg8[%dma_wait3A_758, %dma_wait3A_759] : memref<40x128xi32, #tpu.memory_space<vmem>> -> memref<1x128xi32, #tpu.memory_space<vmem>>
          %dma_wait3A_761 = tpu.memref_squeeze %dma_wait3A_760 : memref<1x128xi32, #tpu.memory_space<vmem>> -> memref<128xi32, #tpu.memory_space<vmem>>
          %dma_wait3A_762 = arith.constant 0 : i32
          %dma_wait3A_763 = tpu.memref_slice %arg13[%dma_wait3A_762] : memref<10240xf32, #tpu.memory_space<vmem_shared>> -> memref<10240xf32, #tpu.memory_space<vmem_shared>>
          tpu.wait_indirect_dma semaphore(%arg18 : memref<!tpu.dma_semaphore, #tpu.memory_space<semaphore_mem>>) src(%arg11 : memref<128xf32, #tpu.memory_space<vmem>>) dst(%dma_wait3A_763 : memref<10240xf32, #tpu.memory_space<vmem_shared>>)
        } else {
        }
        %add3A_709 = arith.constant 33 : i32
        %add3A_710 = arith.addi %sub3A, %add3A_709 : i32
        %lt3A_711 = arith.constant 2500 : i32
        %lt3A_712 = arith.cmpi slt, %add3A_710, %lt3A_711 : i32
        %convert_element_type3A_713 = arith.extui %lt3A_712 : i1 to i32
        %cond3A_714 = arith.constant 0 : i32
        %cond3A_715 = arith.cmpi ne, %convert_element_type3A_713, %cond3A_714 : i32
        scf.if %cond3A_715 {
          %dma_wait3A_758 = arith.constant 33 : i32
          %dma_wait3A_759 = arith.constant 0 : i32
          %dma_wait3A_760 = tpu.memref_slice %arg8[%dma_wait3A_758, %dma_wait3A_759] : memref<40x128xi32, #tpu.memory_space<vmem>> -> memref<1x128xi32, #tpu.memory_space<vmem>>
          %dma_wait3A_761 = tpu.memref_squeeze %dma_wait3A_760 : memref<1x128xi32, #tpu.memory_space<vmem>> -> memref<128xi32, #tpu.memory_space<vmem>>
          %dma_wait3A_762 = arith.constant 0 : i32
          %dma_wait3A_763 = tpu.memref_slice %arg13[%dma_wait3A_762] : memref<10240xf32, #tpu.memory_space<vmem_shared>> -> memref<10240xf32, #tpu.memory_space<vmem_shared>>
          tpu.wait_indirect_dma semaphore(%arg18 : memref<!tpu.dma_semaphore, #tpu.memory_space<semaphore_mem>>) src(%arg11 : memref<128xf32, #tpu.memory_space<vmem>>) dst(%dma_wait3A_763 : memref<10240xf32, #tpu.memory_space<vmem_shared>>)
        } else {
        }
        %add3A_716 = arith.constant 34 : i32
        %add3A_717 = arith.addi %sub3A, %add3A_716 : i32
        %lt3A_718 = arith.constant 2500 : i32
        %lt3A_719 = arith.cmpi slt, %add3A_717, %lt3A_718 : i32
        %convert_element_type3A_720 = arith.extui %lt3A_719 : i1 to i32
        %cond3A_721 = arith.constant 0 : i32
        %cond3A_722 = arith.cmpi ne, %convert_element_type3A_720, %cond3A_721 : i32
        scf.if %cond3A_722 {
          %dma_wait3A_758 = arith.constant 34 : i32
          %dma_wait3A_759 = arith.constant 0 : i32
          %dma_wait3A_760 = tpu.memref_slice %arg8[%dma_wait3A_758, %dma_wait3A_759] : memref<40x128xi32, #tpu.memory_space<vmem>> -> memref<1x128xi32, #tpu.memory_space<vmem>>
          %dma_wait3A_761 = tpu.memref_squeeze %dma_wait3A_760 : memref<1x128xi32, #tpu.memory_space<vmem>> -> memref<128xi32, #tpu.memory_space<vmem>>
          %dma_wait3A_762 = arith.constant 0 : i32
          %dma_wait3A_763 = tpu.memref_slice %arg13[%dma_wait3A_762] : memref<10240xf32, #tpu.memory_space<vmem_shared>> -> memref<10240xf32, #tpu.memory_space<vmem_shared>>
          tpu.wait_indirect_dma semaphore(%arg18 : memref<!tpu.dma_semaphore, #tpu.memory_space<semaphore_mem>>) src(%arg11 : memref<128xf32, #tpu.memory_space<vmem>>) dst(%dma_wait3A_763 : memref<10240xf32, #tpu.memory_space<vmem_shared>>)
        } else {
        }
        %add3A_723 = arith.constant 35 : i32
        %add3A_724 = arith.addi %sub3A, %add3A_723 : i32
        %lt3A_725 = arith.constant 2500 : i32
        %lt3A_726 = arith.cmpi slt, %add3A_724, %lt3A_725 : i32
        %convert_element_type3A_727 = arith.extui %lt3A_726 : i1 to i32
        %cond3A_728 = arith.constant 0 : i32
        %cond3A_729 = arith.cmpi ne, %convert_element_type3A_727, %cond3A_728 : i32
        scf.if %cond3A_729 {
          %dma_wait3A_758 = arith.constant 35 : i32
          %dma_wait3A_759 = arith.constant 0 : i32
          %dma_wait3A_760 = tpu.memref_slice %arg8[%dma_wait3A_758, %dma_wait3A_759] : memref<40x128xi32, #tpu.memory_space<vmem>> -> memref<1x128xi32, #tpu.memory_space<vmem>>
          %dma_wait3A_761 = tpu.memref_squeeze %dma_wait3A_760 : memref<1x128xi32, #tpu.memory_space<vmem>> -> memref<128xi32, #tpu.memory_space<vmem>>
          %dma_wait3A_762 = arith.constant 0 : i32
          %dma_wait3A_763 = tpu.memref_slice %arg13[%dma_wait3A_762] : memref<10240xf32, #tpu.memory_space<vmem_shared>> -> memref<10240xf32, #tpu.memory_space<vmem_shared>>
          tpu.wait_indirect_dma semaphore(%arg18 : memref<!tpu.dma_semaphore, #tpu.memory_space<semaphore_mem>>) src(%arg11 : memref<128xf32, #tpu.memory_space<vmem>>) dst(%dma_wait3A_763 : memref<10240xf32, #tpu.memory_space<vmem_shared>>)
        } else {
        }
        %add3A_730 = arith.constant 36 : i32
        %add3A_731 = arith.addi %sub3A, %add3A_730 : i32
        %lt3A_732 = arith.constant 2500 : i32
        %lt3A_733 = arith.cmpi slt, %add3A_731, %lt3A_732 : i32
        %convert_element_type3A_734 = arith.extui %lt3A_733 : i1 to i32
        %cond3A_735 = arith.constant 0 : i32
        %cond3A_736 = arith.cmpi ne, %convert_element_type3A_734, %cond3A_735 : i32
        scf.if %cond3A_736 {
          %dma_wait3A_758 = arith.constant 36 : i32
          %dma_wait3A_759 = arith.constant 0 : i32
          %dma_wait3A_760 = tpu.memref_slice %arg8[%dma_wait3A_758, %dma_wait3A_759] : memref<40x128xi32, #tpu.memory_space<vmem>> -> memref<1x128xi32, #tpu.memory_space<vmem>>
          %dma_wait3A_761 = tpu.memref_squeeze %dma_wait3A_760 : memref<1x128xi32, #tpu.memory_space<vmem>> -> memref<128xi32, #tpu.memory_space<vmem>>
          %dma_wait3A_762 = arith.constant 0 : i32
          %dma_wait3A_763 = tpu.memref_slice %arg13[%dma_wait3A_762] : memref<10240xf32, #tpu.memory_space<vmem_shared>> -> memref<10240xf32, #tpu.memory_space<vmem_shared>>
          tpu.wait_indirect_dma semaphore(%arg18 : memref<!tpu.dma_semaphore, #tpu.memory_space<semaphore_mem>>) src(%arg11 : memref<128xf32, #tpu.memory_space<vmem>>) dst(%dma_wait3A_763 : memref<10240xf32, #tpu.memory_space<vmem_shared>>)
        } else {
        }
        %add3A_737 = arith.constant 37 : i32
        %add3A_738 = arith.addi %sub3A, %add3A_737 : i32
        %lt3A_739 = arith.constant 2500 : i32
        %lt3A_740 = arith.cmpi slt, %add3A_738, %lt3A_739 : i32
        %convert_element_type3A_741 = arith.extui %lt3A_740 : i1 to i32
        %cond3A_742 = arith.constant 0 : i32
        %cond3A_743 = arith.cmpi ne, %convert_element_type3A_741, %cond3A_742 : i32
        scf.if %cond3A_743 {
          %dma_wait3A_758 = arith.constant 37 : i32
          %dma_wait3A_759 = arith.constant 0 : i32
          %dma_wait3A_760 = tpu.memref_slice %arg8[%dma_wait3A_758, %dma_wait3A_759] : memref<40x128xi32, #tpu.memory_space<vmem>> -> memref<1x128xi32, #tpu.memory_space<vmem>>
          %dma_wait3A_761 = tpu.memref_squeeze %dma_wait3A_760 : memref<1x128xi32, #tpu.memory_space<vmem>> -> memref<128xi32, #tpu.memory_space<vmem>>
          %dma_wait3A_762 = arith.constant 0 : i32
          %dma_wait3A_763 = tpu.memref_slice %arg13[%dma_wait3A_762] : memref<10240xf32, #tpu.memory_space<vmem_shared>> -> memref<10240xf32, #tpu.memory_space<vmem_shared>>
          tpu.wait_indirect_dma semaphore(%arg18 : memref<!tpu.dma_semaphore, #tpu.memory_space<semaphore_mem>>) src(%arg11 : memref<128xf32, #tpu.memory_space<vmem>>) dst(%dma_wait3A_763 : memref<10240xf32, #tpu.memory_space<vmem_shared>>)
        } else {
        }
        %add3A_744 = arith.constant 38 : i32
        %add3A_745 = arith.addi %sub3A, %add3A_744 : i32
        %lt3A_746 = arith.constant 2500 : i32
        %lt3A_747 = arith.cmpi slt, %add3A_745, %lt3A_746 : i32
        %convert_element_type3A_748 = arith.extui %lt3A_747 : i1 to i32
        %cond3A_749 = arith.constant 0 : i32
        %cond3A_750 = arith.cmpi ne, %convert_element_type3A_748, %cond3A_749 : i32
        scf.if %cond3A_750 {
          %dma_wait3A_758 = arith.constant 38 : i32
          %dma_wait3A_759 = arith.constant 0 : i32
          %dma_wait3A_760 = tpu.memref_slice %arg8[%dma_wait3A_758, %dma_wait3A_759] : memref<40x128xi32, #tpu.memory_space<vmem>> -> memref<1x128xi32, #tpu.memory_space<vmem>>
          %dma_wait3A_761 = tpu.memref_squeeze %dma_wait3A_760 : memref<1x128xi32, #tpu.memory_space<vmem>> -> memref<128xi32, #tpu.memory_space<vmem>>
          %dma_wait3A_762 = arith.constant 0 : i32
          %dma_wait3A_763 = tpu.memref_slice %arg13[%dma_wait3A_762] : memref<10240xf32, #tpu.memory_space<vmem_shared>> -> memref<10240xf32, #tpu.memory_space<vmem_shared>>
          tpu.wait_indirect_dma semaphore(%arg18 : memref<!tpu.dma_semaphore, #tpu.memory_space<semaphore_mem>>) src(%arg11 : memref<128xf32, #tpu.memory_space<vmem>>) dst(%dma_wait3A_763 : memref<10240xf32, #tpu.memory_space<vmem_shared>>)
        } else {
        }
        %add3A_751 = arith.constant 39 : i32
        %add3A_752 = arith.addi %sub3A, %add3A_751 : i32
        %lt3A_753 = arith.constant 2500 : i32
        %lt3A_754 = arith.cmpi slt, %add3A_752, %lt3A_753 : i32
        %convert_element_type3A_755 = arith.extui %lt3A_754 : i1 to i32
        %cond3A_756 = arith.constant 0 : i32
        %cond3A_757 = arith.cmpi ne, %convert_element_type3A_755, %cond3A_756 : i32
        scf.if %cond3A_757 {
          %dma_wait3A_758 = arith.constant 39 : i32
          %dma_wait3A_759 = arith.constant 0 : i32
          %dma_wait3A_760 = tpu.memref_slice %arg8[%dma_wait3A_758, %dma_wait3A_759] : memref<40x128xi32, #tpu.memory_space<vmem>> -> memref<1x128xi32, #tpu.memory_space<vmem>>
          %dma_wait3A_761 = tpu.memref_squeeze %dma_wait3A_760 : memref<1x128xi32, #tpu.memory_space<vmem>> -> memref<128xi32, #tpu.memory_space<vmem>>
          %dma_wait3A_762 = arith.constant 0 : i32
          %dma_wait3A_763 = tpu.memref_slice %arg13[%dma_wait3A_762] : memref<10240xf32, #tpu.memory_space<vmem_shared>> -> memref<10240xf32, #tpu.memory_space<vmem_shared>>
          tpu.wait_indirect_dma semaphore(%arg18 : memref<!tpu.dma_semaphore, #tpu.memory_space<semaphore_mem>>) src(%arg11 : memref<128xf32, #tpu.memory_space<vmem>>) dst(%dma_wait3A_763 : memref<10240xf32, #tpu.memory_space<vmem_shared>>)
        } else {
        }
      } else {
      }
      %scan3A_468 = arith.constant 0 : i32
      scf.yield %scan3A_468 : i32
    }
    %scan3A_217 = arith.constant 10 : i32
    %barrier3A_218 = arith.constant 0 : index
    tpu.barrier barrier_id(%barrier3A_218)
    %dma_start3A_219 = arith.constant 0 : i32
    %dma_start3A_220 = tpu.memref_slice %arg5[%arg0, %mul3A_63, %dma_start3A_219] : memref<2x10240x128xf32, #tpu.memory_space<hbm>> -> memref<1x640x128xf32, #tpu.memory_space<hbm>>
    %dma_start3A_221 = tpu.memref_squeeze %dma_start3A_220 : memref<1x640x128xf32, #tpu.memory_space<hbm>> -> memref<640x128xf32, #tpu.memory_space<hbm>>
    %dma_start3A_222 = arith.constant 0 : i32
    %dma_start3A_223 = tpu.memref_slice %arg12[%mul3A_63, %dma_start3A_222] : memref<10240x128xf32, #tpu.memory_space<vmem_shared>> -> memref<640x128xf32, #tpu.memory_space<vmem_shared>>
    tpu.enqueue_dma source(%dma_start3A_223 : memref<640x128xf32, #tpu.memory_space<vmem_shared>>) target(%dma_start3A_221 : memref<640x128xf32, #tpu.memory_space<hbm>>) target_semaphore(%arg19 : memref<!tpu.dma_semaphore, #tpu.memory_space<semaphore_mem>>)
    %dma_start3A_224 = tpu.memref_slice %arg6[%arg0, %mul3A_63] : memref<2x10240xf32, #tpu.memory_space<hbm>> -> memref<1x640xf32, #tpu.memory_space<hbm>>
    %dma_start3A_225 = tpu.memref_squeeze %dma_start3A_224 : memref<1x640xf32, #tpu.memory_space<hbm>> -> memref<640xf32, #tpu.memory_space<hbm>>
    %dma_start3A_226 = tpu.memref_slice %arg13[%mul3A_63] : memref<10240xf32, #tpu.memory_space<vmem_shared>> -> memref<640xf32, #tpu.memory_space<vmem_shared>>
    tpu.enqueue_dma source(%dma_start3A_226 : memref<640xf32, #tpu.memory_space<vmem_shared>>) target(%dma_start3A_225 : memref<640xf32, #tpu.memory_space<hbm>>) target_semaphore(%arg20 : memref<!tpu.dma_semaphore, #tpu.memory_space<semaphore_mem>>)
    %dma_wait3A_227 = arith.constant 0 : i32
    %dma_wait3A_228 = tpu.memref_slice %arg5[%arg0, %mul3A_63, %dma_wait3A_227] : memref<2x10240x128xf32, #tpu.memory_space<hbm>> -> memref<1x640x128xf32, #tpu.memory_space<hbm>>
    %dma_wait3A_229 = tpu.memref_squeeze %dma_wait3A_228 : memref<1x640x128xf32, #tpu.memory_space<hbm>> -> memref<640x128xf32, #tpu.memory_space<hbm>>
    %dma_wait3A_230 = arith.constant 0 : i32
    %dma_wait3A_231 = tpu.memref_slice %arg12[%mul3A_63, %dma_wait3A_230] : memref<10240x128xf32, #tpu.memory_space<vmem_shared>> -> memref<640x128xf32, #tpu.memory_space<vmem_shared>>
    tpu.wait_dma2 semaphore(%arg19 : memref<!tpu.dma_semaphore, #tpu.memory_space<semaphore_mem>>) src(%dma_wait3A_231 : memref<640x128xf32, #tpu.memory_space<vmem_shared>>) dst(%dma_wait3A_229 : memref<640x128xf32, #tpu.memory_space<hbm>>)
    %dma_wait3A_232 = tpu.memref_slice %arg6[%arg0, %mul3A_63] : memref<2x10240xf32, #tpu.memory_space<hbm>> -> memref<1x640xf32, #tpu.memory_space<hbm>>
    %dma_wait3A_233 = tpu.memref_squeeze %dma_wait3A_232 : memref<1x640xf32, #tpu.memory_space<hbm>> -> memref<640xf32, #tpu.memory_space<hbm>>
    %dma_wait3A_234 = tpu.memref_slice %arg13[%mul3A_63] : memref<10240xf32, #tpu.memory_space<vmem_shared>> -> memref<640xf32, #tpu.memory_space<vmem_shared>>
    tpu.wait_dma2 semaphore(%arg20 : memref<!tpu.dma_semaphore, #tpu.memory_space<semaphore_mem>>) src(%dma_wait3A_234 : memref<640xf32, #tpu.memory_space<vmem_shared>>) dst(%dma_wait3A_233 : memref<640xf32, #tpu.memory_space<hbm>>)
    return
  }
}

module attributes {stable_mosaic.version = 14 : i64} {
  func.func @_merge_body(%arg0: i32, %arg1: memref<2x1024x128xf32, #tpu.memory_space<vmem>>, %arg2: memref<2x1024xf32, #tpu.memory_space<vmem>>, %arg3: memref<1024x128xf32, #tpu.memory_space<vmem>>, %arg4: memref<1024x128xf32, #tpu.memory_space<vmem>>) attributes {dimension_semantics = [#tpu.dimension_semantics<arbitrary>], iteration_bounds = array<i64: 10>, scalar_prefetch = 0 : i64, scratch_operands = 0 : i64, tpu.core_type = #tpu.core_type<tc>, window_params = [{transform_indices = @transform_0, window_bounds = array<i64: 2, 1024, 128>}, {transform_indices = @transform_1, window_bounds = array<i64: 2, 1024>}, {transform_indices = @transform_2, window_bounds = array<i64: 1024, 128>}, {transform_indices = @transform_3, window_bounds = array<i64: 1024, 128>}]} {
    %get3A = arith.constant 0 : index
    %get3A_0 = arith.constant 0 : index
    %get3A_1 = arith.constant 0 : index
    %get3A_2 = vector.load %arg1[%get3A, %get3A_0, %get3A_1] : memref<2x1024x128xf32, #tpu.memory_space<vmem>>, vector<1x1024x128xf32>
    %get3A_3 = vector.shape_cast %get3A_2 : vector<1x1024x128xf32> to vector<1024x128xf32>
    %get3A_4 = arith.constant 1 : index
    %get3A_5 = arith.constant 0 : index
    %get3A_6 = arith.constant 0 : index
    %get3A_7 = vector.load %arg1[%get3A_4, %get3A_5, %get3A_6] : memref<2x1024x128xf32, #tpu.memory_space<vmem>>, vector<1x1024x128xf32>
    %get3A_8 = vector.shape_cast %get3A_7 : vector<1x1024x128xf32> to vector<1024x128xf32>
    %add3A = arith.addf %get3A_3, %get3A_8 : vector<1024x128xf32>
    %get3A_9 = arith.constant 0 : index
    %get3A_10 = arith.constant 0 : index
    %get3A_11 = vector.load %arg2[%get3A_9, %get3A_10] : memref<2x1024xf32, #tpu.memory_space<vmem>>, vector<1x1024xf32>
    %get3A_12 = vector.shape_cast %get3A_11 : vector<1x1024xf32> to vector<1024xf32>
    %get3A_13 = arith.constant 1 : index
    %get3A_14 = arith.constant 0 : index
    %get3A_15 = vector.load %arg2[%get3A_13, %get3A_14] : memref<2x1024xf32, #tpu.memory_space<vmem>>, vector<1x1024xf32>
    %get3A_16 = vector.shape_cast %get3A_15 : vector<1x1024xf32> to vector<1024xf32>
    %add3A_17 = arith.addf %get3A_12, %get3A_16 : vector<1024xf32>
    %get3A_18 = arith.constant 0 : index
    %get3A_19 = arith.constant 0 : index
    %get3A_20 = vector.load %arg3[%get3A_18, %get3A_19] : memref<1024x128xf32, #tpu.memory_space<vmem>>, vector<1024x128xf32>
    %add3A_21 = arith.addf %add3A, %get3A_20 : vector<1024x128xf32>
    %add3A_22 = arith.constant 1.000000e+00 : f32
    %add3A_23 = vector.broadcast %add3A_22 : f32 to vector<1024xf32>
    %add3A_24 = arith.addf %add3A_17, %add3A_23 : vector<1024xf32>
    %broadcast_in_dim3A = vector.shape_cast %add3A_24 : vector<1024xf32> to vector<1024x1xf32>
    %div3A = vector.broadcast %broadcast_in_dim3A : vector<1024x1xf32> to vector<1024x128xf32>
    %div3A_25 = arith.divf %add3A_21, %div3A : vector<1024x128xf32>
    %swap3A = arith.constant 0 : index
    %swap3A_26 = arith.constant 0 : index
    %swap3A_27 = vector.load %arg4[%swap3A, %swap3A_26] : memref<1024x128xf32, #tpu.memory_space<vmem>>, vector<1024x128xf32>
    tpu.vector_store %arg4[%swap3A, %swap3A_26], %div3A_25 {strides = array<i32>} : memref<1024x128xf32, #tpu.memory_space<vmem>>, vector<1024x128xf32>,
    return
  }
  func.func @transform_0(%arg0: i32) -> (i32, i32, i32) {
    %c0_i32 = arith.constant 0 : i32
    %c0_i32_0 = arith.constant 0 : i32
    %c0_i32_1 = arith.constant 0 : i32
    return %c0_i32, %arg0, %c0_i32_0 : i32, i32, i32
  }
  func.func @transform_1(%arg0: i32) -> (i32, i32) {
    %c0_i32 = arith.constant 0 : i32
    %c0_i32_0 = arith.constant 0 : i32
    return %c0_i32, %arg0 : i32, i32
  }
  func.func @transform_2(%arg0: i32) -> (i32, i32) {
    %c0_i32 = arith.constant 0 : i32
    %c0_i32_0 = arith.constant 0 : i32
    return %arg0, %c0_i32 : i32, i32
  }
  func.func @transform_3(%arg0: i32) -> (i32, i32) {
    %c0_i32 = arith.constant 0 : i32
    %c0_i32_0 = arith.constant 0 : i32
    return %arg0, %c0_i32 : i32, i32
  }
}

</mosaic_0001>

<sc_bundles>
// kernel: kernel.4.cloned.1.call-start
scs
__scs_entry_jumppad:
0x0: {  	(pc) =	sbr.rel $0x88, $3  }
0x1: {  	(tag) =	ssettag $0x0;
	lr =	simm.s32 $0x1  }
0x2: {  	[smem:$0x3F9E] =	sst lr;
	_ =	strace $0xD0000000  }
0x3: {  	_ = 	snop  }
0x4: {  	_ = 	snop  }
0x5: {  	_ = 	snop  }
0x6: {  	_ = 	snop  }
0x7: {  	_ = 	snop  }
__scs_overlays_trampoline_lowered:
0x8: {  	[smem:$0x3FAD] =	sst s0  }
0x9: {  	[smem:$0x3FAE] =	sst s1  }
0xa: {  	[smem:$0x3FAF] =	sst s2  }
0xb: {  	[smem:$0x3FB0] =	sst s3  }
0xc: {  	[smem:$0x3FB1] =	sst s4  }
0xd: {  	[smem:$0x3FB2] =	sst s5  }
0xe: {  	[smem:$0x3FB3] =	sst s6  }
0xf: {  	[smem:$0x3FB4] =	sst s7  }
0x10: {  	[smem:$0x3FB5] =	sst s8  }
0x11: {  	[smem:$0x3FB6] =	sst s9;
	s0 =	simm.s32 @!p0 $0x0  }
0x12: {  	s1 =	sld [smem:$0x3F9C];
	s0 =	simm.s32 @p0 $0x1  }
0x13: {  	[smem:$0x3FB7] =	sst s0;
	s0 =	simm.s32 @!p1 $0x0  }
0x14: {  	s2 =	sld [smem:$0x3F9B];
	s0 =	simm.s32 @p1 $0x1  }
0x15: {  	[smem:$0x3FB8] =	sst s0;
	s0 =	simm.s32 @!p2 $0x0  }
0x16: {  	s3 =	sld [smem:$0x3FDB];
	s0 =	simm.s32 @p2 $0x1  }
0x17: {  	s4 =	simm.s32 $0x1BF5;
	[smem:$0x3FBA] =	sst s0  }
0x18: {  	s0 =	sld [smem:$0x3F9D];
	_ =	swait.ge [sflag:s4], $0x0  }
0x19: {  	s7 =	sld [smem:$0x3F9E]  }
0x1a: {  	s8 =	sadd.s32 $0xFFFFE003, lr  }
0x1b: {  	s9 =	sadd.s32 $0xFFFFFEF7, lr;
	s5 =	simm.s32 $0xFFFFFFFF;
	p2 =	slt.u32 s8, $0xFFFFF086  }
0x1c: {  	p1 =	slt.u32 s9, $0xF7A;
	s5 =	simm.s32 @!p2 $0x0  }
0x1d: {  	s5 =	simm.s32 @p1 $0x1;
	p0 =	seq.s32 s7, s2  }
0x1e: {  	s7 =	smul.u32 @!p0 $0xF7A, s2;
	p2 =	seq.s32 @!p0 s5, $0x0  }
0x1f: {  	s9 =	smul.u32 $0xF7A, s1;
	s8 =	simm.s32 @!p0 $0x1BF5;
	p2 =	por !p2, p0  }
0x20: {  	[sflag:s8] =	ssyncset.s32 @!p0 $0xFFFFF086;
	s6 =	sadd.s32 @!p0 s3, s7;
	s7 =	simm.s32 @!p0 $0x108  }
0x21: {  	s3 =	sadd.s32 s3, s9;
	s6 =	sadd.s32 @!p0 $0x88, s6;
	s7 =	simm.s32 @p2 $0x1082  }
0x22: {  	[simem:s7], [sflag:s8] =	dma.local @!p0 [hbm:s6], $0xF7A  }
0x23: {  	s9 =	sor.u32 $0xD0000000, s2;
	s6 =	simm.s32 $0x108;
	_ =	swait.ge @!p0 [sflag:s8], $0x0  }
0x24: {  	s3 =	sadd.s32 $0x88, s3;
	s6 =	simm.s32 @!p1 $0x1082;
	[sflag:s4] =	ssyncset.s32 $0xFFFFF086  }
0x25: {  	[simem:s6], [sflag:s4] =	dma.local [hbm:s3], $0xF7A  }
0x26: {  	[smem:$0x3F9E] =	sst s1;
	(tag) =	ssettag s2;
	_ =	strace s9  }
0x27: {  	s1 =	sld [smem:$0x3FAE]  }
0x28: {  	s2 =	sld [smem:$0x3FAF]  }
0x29: {  	s4 =	sld [smem:$0x3FB1]  }
0x2a: {  	p0 =	seq.s32 s5, $0x0;
	s5 =	sld [smem:$0x3FB2]  }
0x2b: {  	s6 =	sld [smem:$0x3FB3]  }
0x2c: {  	s7 =	sld [smem:$0x3FB4]  }
0x2d: {  	s3 =	simm.s32 $0x108;
	s8 =	sld [smem:$0x3FB5]  }
0x2e: {  	s3 =	simm.s32 @!p0 $0x1082;
	s9 =	sld [smem:$0x3FB6]  }
0x2f: {  	lr =	sadd.s32 s0, s3;
	s0 =	sld [smem:$0x3FAD]  }
0x30: {  	s3 =	sld [smem:$0x3FB0]  }
0x31: {  	[smem:$0x3FB9] =	sst s10  }
0x32: {  	s10 =	sld [smem:$0x3FB7];
	_ =	sdelay $0x3  }
0x33: {  	p0 =	seq.s32 s10, $0x1;
	s10 =	sld [smem:$0x3FB9];
	_ =	sdelay $0x3  }
0x34: {  	[smem:$0x3FB9] =	sst s10  }
0x35: {  	s10 =	sld [smem:$0x3FB8];
	_ =	sdelay $0x3  }
0x36: {  	p1 =	seq.s32 s10, $0x1;
	s10 =	sld [smem:$0x3FB9];
	_ =	sdelay $0x3  }
0x37: {  	[smem:$0x3FB9] =	sst s10  }
0x38: {  	s10 =	sld [smem:$0x3FBA]  }
0x39: {  	_ = 	snop;
	(pc) =	sbr.ind lr, $3  }
0x3a: {  	_ = 	snop  }
0x3b: {  	_ = 	snop  }
0x3c: {  	p2 =	seq.s32 s10, $0x1;
	s10 =	sld [smem:$0x3FB9]  }
0x3d: {  	_ =	shalt  }
0x3e: {  	_ =	shalt  }
0x3f: {  	_ =	shalt  }
0x40: {  	_ =	shalt  }
0x41: {  	_ =	shalt  }
0x42: {  	_ =	shalt  }
0x43: {  	_ =	shalt  }
0x44: {  	_ =	shalt  }
0x45: {  	_ =	shalt  }
0x46: {  	_ =	shalt  }
0x47: {  	_ =	shalt  }
0x48: {  	_ =	shalt  }
0x49: {  	_ =	shalt  }
0x4a: {  	_ =	shalt  }
0x4b: {  	_ =	shalt  }
0x4c: {  	_ =	shalt  }
0x4d: {  	_ =	shalt  }
0x4e: {  	_ =	shalt  }
0x4f: {  	_ =	shalt  }
0x50: {  	_ =	shalt  }
0x51: {  	_ =	shalt  }
0x52: {  	_ =	shalt  }
0x53: {  	_ =	shalt  }
0x54: {  	_ =	shalt  }
0x55: {  	_ =	shalt  }
0x56: {  	_ =	shalt  }
0x57: {  	_ =	shalt  }
0x58: {  	_ =	shalt  }
0x59: {  	_ =	shalt  }
0x5a: {  	_ =	shalt  }
0x5b: {  	_ =	shalt  }
0x5c: {  	_ =	shalt  }
0x5d: {  	_ =	shalt  }
0x5e: {  	_ =	shalt  }
0x5f: {  	_ =	shalt  }
0x60: {  	_ =	shalt  }
0x61: {  	_ =	shalt  }
0x62: {  	_ =	shalt  }
0x63: {  	_ =	shalt  }
0x64: {  	_ =	shalt  }
0x65: {  	_ =	shalt  }
0x66: {  	_ =	shalt  }
0x67: {  	_ =	shalt  }
0x68: {  	_ =	shalt  }
0x69: {  	_ =	shalt  }
0x6a: {  	_ =	shalt  }
0x6b: {  	_ =	shalt  }
0x6c: {  	_ =	shalt  }
0x6d: {  	_ =	shalt  }
0x6e: {  	_ =	shalt  }
0x6f: {  	_ =	shalt  }
0x70: {  	_ =	shalt  }
0x71: {  	_ =	shalt  }
0x72: {  	_ =	shalt  }
0x73: {  	_ =	shalt  }
0x74: {  	_ =	shalt  }
0x75: {  	_ =	shalt  }
0x76: {  	_ =	shalt  }
0x77: {  	_ =	shalt  }
0x78: {  	_ =	shalt  }
0x79: {  	_ =	shalt  }
0x7a: {  	_ =	shalt  }
0x7b: {  	_ =	shalt  }
0x7c: {  	_ =	shalt  }
0x7d: {  	_ =	shalt  }
0x7e: {  	_ =	shalt  }
0x7f: {  	_ =	shalt  }
0x80: {  	_ =	shalt  }
0x81: {  	_ =	shalt  }
0x82: {  	_ =	shalt  }
0x83: {  	_ =	shalt  }
0x84: {  	_ =	shalt  }
0x85: {  	_ =	shalt  }
0x86: {  	_ =	shalt  }
0x87: {  	_ =	shalt  }
.Lfunc_end0:
.L_simem_size_0:
called_computation_lowered:
.L_overlay_start_0:
0x88: {  	s2 =	sld [smem:$0x3FD9]  }
0x89: {  	s3 =	sld [smem:$0x3FFE];
	_ =	sdelay $0x1  }
0x8a: {  	s1 =	srdreg.scid  }
0x8b: {  	s0 =	sand.u32 $0x1, s1  }
0x8c: {  	s17 =	sshll.u32 s0, $0xA;
	s2 =	sadd.s32 s3, s2  }
0x8d: {  	s2 =	sadd.s32 s2, s17  }
0x8e: {  	[smem:$0x3FC5] =	sst s2  }
0x8f: {  	_ = 	snop  }
0x90: {  	s2 =	sld [smem:$0x3FC9]  }
0x91: {  	s18 =	sld [smem:$0x3FD0];
	(tm) =	ssettm $0x1  }
0x92: {  	s4 =	sld [smem:$0x3FFB];
	_ =	sdelay $0x3  }
0x93: {  	_ =	strace s4  }
0x94: {  	s4 =	sld [smem:$0x3FFC];
	_ =	sdelay $0x3  }
0x95: {  	_ =	strace s4  }
0x96: {  	s4 =	sld [smem:$0x3FFD];
	_ =	sdelay $0x3  }
0x97: {  	_ =	strace s4  }
0x98: {  	_ =	strace $0x8FFFFFFF  }
0x99: {  	s19 =	sld [smem:$0x3FDB];
	_ =	sdelay $0x1  }
0x9a: {  	s5 =	simm.s32 $_scs_section_size  }
0x9b: {  	s6 =	simm.s32 $_size__tile_overlayer_lowered;
	s7 =	simm.s32 $_tile_overlayer_lowered  }
0x9c: {  	s22 =	simm.s32 $0x1BFF;
	s21 =	sshll.u32 s7, $0x1;
	s4 =	sadd.s32 s5, s19  }
0x9d: {  	s8 =	simm.s32 $0x0;
	s20 =	sshll.u32 s6, $0x1;
	s6 =	sadd.s32 s21, s4  }
0x9e: {  	[timem:s8], [sflag:s22] =	dma.local [hbm:s6], s20  }
0x9f: {  	_ =	swait.ge [sflag:s22], s20  }
0xa0: {  	s5 =	ssub.s32 $0x0, s20;
	[sflag:s22] =	ssyncset.done $0x0  }
0xa1: {  	[sflag:s22] =	ssyncadd.s32 s5;
	_ =	sdelay $0x1  }
0xa2: {  	s23 =	simm.s32 $0x1B8B  }
0xa3: {  	_ =	swait.ge [sflag:s23], $0x1  }
0xa4: {  	[sflag:s23] =	ssyncset.done $0x0  }
0xa5: {  	s25 =	simm.s32 $0x1B8E;
	s24 =	sld [smem:$0x3FFE];
	[sflag:s23] =	ssyncadd.s32 $0xFFFFFFFF  }
0xa6: {  	s26 =	simm.s32 $execute0_lowered;
	[smem:$0x3FD2] =	sst s25  }
0xa7: {  	s6 =	sshll.u32 s26, $0x1;
	_ =	strace $0x80000046;
	[dreg:$0x1] =	wrdreg $0xFFFFFFFF  }
0xa8: {  	s28 =	simm.s32 $_size_execute0_lowered;
	s4 =	sadd.s32 s4, s6;
	[dreg:$0x0] =	wrdreg $0x0  }
0xa9: {  	s6 =	sshll.u32 s28, $0x1;
	[dreg:$0x2] =	wrdreg s4  }
0xaa: {  	[dreg:$0x3] =	wrdreg s6  }
0xab: {  	[dreg:$0x4] =	wrdreg $0xC0  }
0xac: {  	_ =	task [dreg:s8], $0x5FFFF  }
0xad: {  	[dreg:$0x1] =	wrdreg $0xFFFFFFFF  }
0xae: {  	[dreg:$0x0] =	wrdreg $0x60  }
0xaf: {  	[dreg:$0x2] =	wrdreg s18  }
0xb0: {  	[dreg:$0x3] =	wrdreg s24  }
0xb1: {  	[dreg:$0x4] =	wrdreg s2  }
0xb2: {  	[dreg:$0x5] =	wrdreg $0xA8800  }
0xb3: {  	[dreg:$0x6] =	wrdreg $0x1E8800  }
0xb4: {  	[dreg:$0x7] =	wrdreg $0x9  }
0xb5: {  	_ =	task.clear_ibuf [dreg:s8], $0x8FFFF;
	_ =	strace $0x90000046  }
0xb6: {  	s29 =	simm.s32 $0x9;
	_ =	strace $0x80000048  }
0xb7: {  	_ =	swait.ge [sflag:s29], $0x1  }
0xb8: {  	[sflag:s29] =	ssyncadd.s32 $0xFFFFFFFF  }
0xb9: {  	_ =	strace $0x90000048  }
0xba: {  	_ =	sfence  }
0xbb: {  	s30 =	sld [smem:$0x0];
	_ =	sdelay $0x2  }
0xbc: {  	s31 =	sshll.u32 s1, $0xD;
	s1 =	sshrl.u32 s1, $0x2  }
0xbd: {  	s3 =	sand.u32 $0x4000, s31;
	s1 =	sadd.s32 s1, s30  }
0xbe: {  	s0 =	sor.u32 s3, s0;
	s1 =	sshll.u32 s1, $0x11  }
0xbf: {  	s0 =	sor.u32 s1, s0  }
0xc0: {  	s0 =	sadd.s32 $0x8F2B, s0  }
0xc1: {  	[sflag:s0] =	ssyncadd.remote.s32 $0x1  }
0xc2: {  	_ =	sfence.sel $0xFFFF  }
0xc3: {  	[dreg:$0x0] =	wrdreg $0xFFFFFFFF;
	(pc) =	sbr.abs _section_cstart, $3  }
0xc4: {  	[dreg:$0x1] =	wrdreg $0xFFFFFFFF  }
0xc5: {  	_ =	task.clear_ibuf [dreg:s8], $0x2FFFF;
	_ =	strace $0x9FFFFFFF  }
0xc6: {  	(tm) =	ssettm $0x7FFFFFFF  }
0xc7: {  	_ =	shalt  }
tec
execute0_lowered:
.L_overlay_start_1:
0x0: {  	(tag) =	ssettag $0x1  }
0x1: {  	s0 =	rddreg [dreg:$0x0]  }
0x2: {  	s4 =	rddreg [dreg:$0x1]  }
0x3: {  	s1 =	rddreg [dreg:$0x2]  }
0x4: {  	s2 =	rddreg [dreg:$0x3];
	s18 =	stileid.u32  }
0x5: {  	s3 =	rddreg [dreg:$0x4];
	s8 =	smul.u32 $0x14000, s18  }
0x6: {  	s5 =	srdreg.scid;
	s28 =	simm.s32 $0x6;
	s11 =	smul.u32 $0x500, s18  }
0x7: {  	s29 =	simm.s32 $0x80;
	s30 =	simm.s32 $0x6800;
	s13 =	smul.u32 $0x50000, s18  }
0x8: {  	s31 =	simm.s32 $0x1;
	s6 =	sand.u32 $0x1, s5;
	s14 =	smul.u32 $0x280, s18  }
0x9: {  	s5 =	simm.s32 $0x0;
	s10 =	sadd.s32 $0x1600, s4;
	s7 =	smul.u32 $0x140000, s6  }
0xa: {  	[smem:$0x7FF] =	sst s5;
	s19 =	sshll.u32 s6, $0x4;
	s9 =	sshll.u32 s6, $0x7  }
0xb: {  	s12 =	ssub.s32 $0x2, s6;
	_ =	strace $0x80000047;
	s9 =	sor.u32 s9, s11  }
0xc: {  	s20 =	sshrl.u32 s12, $0x1;
	s22 =	sshrl.u32 s13, $0x2;
	s23 =	sadd.s32 $0x80, s14  }
0xd: {  	s16 =	sadd.s32 $0x100, s14;
	s17 =	sadd.s32 $0x180, s14;
	s7 =	sadd.s32 s8, s7  }
0xe: {  	s8 =	sor.u32 s18, s19;
	s9 =	sshrl.u32 s9, $0x3;
	s12 =	ssub.s32 s12, s20  }
0xf: {  	s15 =	sshll.u32 s23, $0x7;
	s24 =	sshll.u32 s16, $0x7;
	s13 =	sadd.s32 s23, s3  }
0x10: {  	s26 =	sshll.u32 s17, $0x7;
	s19 =	sadd.s32 s16, s3;
	s23 =	smul.u32 $0x5000, s6  }
0x11: {  	s20 =	sadd.s32 $0x200, s14;
	s6 =	smul.u32 $0x500, s6;
	s7 =	sshrl.u32 s7, $0x3  }
0x12: {  	s8 =	smul.u32 $0x500, s8;
	s15 =	sadd.s32 s15, s2;
	[dreg:$0x9] =	wrdreg s13  }
0x13: {  	s25 =	sadd.s32 s24, s2;
	[dreg:$0xb] =	wrdreg s19;
	s13 =	sadd.s32 s26, s2  }
0x14: {  	s24 =	smul.u32 $0x50, s18;
	s7 =	sadd.s32 s7, s4;
	[dreg:$0x8] =	wrdreg s15  }
0x15: {  	s4 =	sadd.s32 s9, s4;
	s9 =	sadd.s32 s14, s3;
	[dreg:$0xa] =	wrdreg s25  }
0x16: {  	[dreg:$0xc] =	wrdreg s13;
	s13 =	sadd.s32 s20, s3;
	s25 =	smax.u32 s12, $0x1  }
0x17: {  	s21 =	sadd.s32 s0, s8;
	s8 =	sadd.s32 s10, s8;
	[dreg:$0xf] =	wrdreg s13  }
0x18: {  	s0 =	sadd.s32 s23, s0;
	s10 =	sadd.s32 s23, s10;
	[dreg:$0x12] =	wrdreg s25  }
0x19: {  	s7 =	sadd.s32 $0xB600, s7;
	s4 =	sadd.s32 $0x5B600, s4;
	[dreg:$0x6] =	wrdreg s21  }
0x1a: {  	s25 =	simm.s32 $0x2800;
	[dreg:$0x7] =	wrdreg s8;
	s8 =	sadd.s32 s22, s2  }
0x1b: {  	s21 =	sadd.s32 s17, s3;
	s22 =	sshll.u32 s20, $0x7;
	[dreg:$0x10] =	wrdreg s7  }
0x1c: {  	[dreg:$0x11] =	wrdreg s4;
	s0 =	sadd.s32 s11, s0;
	s26 =	sadd.s32 s11, s10  }
.Ltmp0:
0x1d: {  	s4 =	simm.s32 $0x2;
	s7 =	simm.s32 $0x5;
	(pc) =	sbr.rel .LBB2_1-.Ltmp0, $4  }
0x1e: {  	s10 =	simm.s32 $0x7;
	s11 =	simm.s32 $0x0;
	[dreg:$0xd] =	wrdreg s21  }
0x1f: {  	s14 =	sadd.s32 s22, s2;
	s21 =	sadd.s32 s24, s6;
	[dreg:$0x13] =	wrdreg s0  }
0x20: {  	[dreg:$0x14] =	wrdreg s26;
	s24 =	simm.s32 $0x1400;
	s26 =	simm.s32 $0xA800  }
0x21: {  	v0 =	vimm.f32 $0.0e+00;
	v1 =	vimm.f32 $1.000000000e+00;
	s0 =	simm.s32 $0x3;
	s6 =	simm.s32 $0x4;
	[dreg:$0xe] =	wrdreg s14  }
.LBB2_18:
0x22: {  	s12 =	stileid.u32;
	[bflag:$0x0] =	sbarrier.arrive $0xFFFF  }
0x23: {  	s14 =	sshrl.u32 s8, $0x3;
	s20 =	sshrl.u32 s9, $0x3;
	s12 =	sshll.u32 s12, $0x6  }
0x24: {  	s22 =	simm.s32 $0x20;
	s15 =	rddreg [dreg:$0x10];
	s13 =	sor.u32 $0x1C06, s12  }
0x25: {  	[hbm:s15], [sflag:s13] =	dma.local [spmem:s14], $0x2800  }
0x26: {  	s16 =	simm.s32 $0x10;
	s12 =	sor.u32 $0x1C07, s12;
	s14 =	rddreg [dreg:$0x11]  }
0x27: {  	[hbm:s14@s22], [sflag:s12] =	dma.strided [spmem:s20@s16], $0x50, s31, $0x10   }
0x28: {  	_ =	swait.ge [sflag:s28], $0x2800  }
0x29: {  	[sflag:s28] =	ssyncset.done $0x0  }
0x2a: {  	[sflag:s28] =	ssyncadd.s32 $0xFFFFD800  }
0x2b: {  	_ =	swait.ge [sflag:s10], $0x50  }
0x2c: {  	s11 =	sadd.s32 $0x1, s11;
	s23 =	rddreg [dreg:$0x12]  }
0x2d: {  	p0 =	sne.s32 s11, s23  }
.Ltmp1:
0x2e: {  	_ = 	snop;
	(pc) =	sbr.rel @!p0 .LBB2_19-.Ltmp1, $3  }
0x2f: {  	_ =	sdelay $0x1  }
0x30: {  	[sflag:s10] =	ssyncset.done $0x0  }
0x31: {  	[sflag:s10] =	ssyncadd.s32 $0xFFFFFFB0  }
.LBB2_1:
0x32: {  	s12 =	rddreg [dreg:$0x6]  }
0x33: {  	[tilespmem:s5], [sflag:$0x7] =	stream.linear.gather [hbm4b:s12+s5], $0x1400, $0x38;
	[tilespmem:$0x1EB00] =	vst v63  }
0x34: {  	s23 =	rddreg [dreg:$0x7];
	s15 =	simm.s32 $0x200;
	s12 =	simm.s32 $0x0  }
0x35: {  	[tilespmem:s24], [sflag:$0x7] =	stream.linear.gather [hbm4b:s23+s5], $0x1400, $0x38;
	[tilespmem:$0x1EB00] =	vst v63  }
.LBB2_2:
0x36: {  	p0 =	sne.s32 s15, $0xFE00;
	[tilespmem:s12+$0x2870] =	vst v0  }
0x37: {  	[tilespmem:s12+$0x2800] =	vst v0  }
0x38: {  	[tilespmem:s12+$0x2810] =	vst v0  }
.Ltmp2:
0x39: {  	[tilespmem:s12+$0x2820] =	vst v0;
	(pc) =	sbr.rel @p0 .LBB2_2-.Ltmp2, $4  }
0x3a: {  	[tilespmem:s12+$0x2830] =	vst v0  }
0x3b: {  	[tilespmem:s12+$0x2840] =	vst v0  }
0x3c: {  	[tilespmem:s12+$0x2850] =	vst v0  }
0x3d: {  	[tilespmem:s12+$0x2860] =	vst v0;
	s12 =	sshra.s32 s15, $0x2;
	s15 =	sadd.s32 $0x200, s15  }
0x3e: {  	[tilespmem:s12+$0x2870] =	vst v0  }
0x3f: {  	[tilespmem:s12+$0x2800] =	vst v0  }
0x40: {  	[tilespmem:s12+$0x2810] =	vst v0  }
0x41: {  	[tilespmem:s12+$0x2820] =	vst v0  }
0x42: {  	[tilespmem:s12+$0x2830] =	vst v0  }
0x43: {  	[tilespmem:s12+$0x2840] =	vst v0  }
0x44: {  	[tilespmem:s12+$0x2850] =	vst v0  }
0x45: {  	[tilespmem:s12+$0x2860] =	vst v0  }
0x46: {  	[tilespmem:$0xA800] =	vst v0  }
0x47: {  	[tilespmem:$0xA810] =	vst v0  }
0x48: {  	[tilespmem:$0xA820] =	vst v0  }
0x49: {  	[tilespmem:$0xA830] =	vst v0  }
0x4a: {  	[tilespmem:$0xA840] =	vst v0  }
0x4b: {  	[tilespmem:$0xA850] =	vst v0  }
0x4c: {  	[tilespmem:$0xA860] =	vst v0  }
0x4d: {  	[tilespmem:$0xA870] =	vst v0  }
0x4e: {  	[spmem:s8] =	stream.linear.scatter [tilespmem:s25], [sflag:$0x6], $0x4000, $0x38;
	[tilespmem:$0x1EB00] =	vst v63  }
0x4f: {  	_ = 	snop  }
0x50: {  	[spmem:s9] =	stream.linear.scatter [tilespmem:s26], [sflag:$0x6], $0x80, $0x38;
	[tilespmem:$0x1EB00] =	vst v63  }
0x51: {  	s15 =	rddreg [dreg:$0x8]  }
0x52: {  	[spmem:s15] =	stream.linear.scatter [tilespmem:s25], [sflag:$0x6], $0x4000, $0x38;
	[tilespmem:$0x1EB00] =	vst v63  }
0x53: {  	s16 =	rddreg [dreg:$0x9]  }
0x54: {  	[spmem:s16] =	stream.linear.scatter [tilespmem:s26], [sflag:$0x6], $0x80, $0x38;
	[tilespmem:$0x1EB00] =	vst v63  }
0x55: {  	s17 =	rddreg [dreg:$0xa]  }
0x56: {  	[spmem:s17] =	stream.linear.scatter [tilespmem:s25], [sflag:$0x6], $0x4000, $0x38;
	[tilespmem:$0x1EB00] =	vst v63  }
0x57: {  	s18 =	rddreg [dreg:$0xb]  }
0x58: {  	[spmem:s18] =	stream.linear.scatter [tilespmem:s26], [sflag:$0x6], $0x80, $0x38;
	[tilespmem:$0x1EB00] =	vst v63  }
0x59: {  	s19 =	rddreg [dreg:$0xc]  }
0x5a: {  	[spmem:s19] =	stream.linear.scatter [tilespmem:s25], [sflag:$0x6], $0x4000, $0x38;
	[tilespmem:$0x1EB00] =	vst v63  }
0x5b: {  	s20 =	rddreg [dreg:$0xd]  }
0x5c: {  	[spmem:s20] =	stream.linear.scatter [tilespmem:s26], [sflag:$0x6], $0x80, $0x38;
	[tilespmem:$0x1EB00] =	vst v63  }
0x5d: {  	s22 =	rddreg [dreg:$0xe]  }
0x5e: {  	[spmem:s22] =	stream.linear.scatter [tilespmem:s25], [sflag:$0x6], $0x4000, $0x38;
	[tilespmem:$0x1EB00] =	vst v63  }
0x5f: {  	s23 =	rddreg [dreg:$0xf]  }
0x60: {  	[spmem:s23] =	stream.linear.scatter [tilespmem:s26], [sflag:$0x6], $0x80, $0x38;
	[tilespmem:$0x1EB00] =	vst v63  }
0x61: {  	_ =	swait.ge [sflag:s28], $0x4000  }
0x62: {  	[sflag:s28] =	ssyncset.done $0x0  }
0x63: {  	[sflag:s28] =	ssyncadd.s32 $0xFFFFC000  }
0x64: {  	_ =	swait.ge [sflag:s28], $0x80  }
0x65: {  	[sflag:s28] =	ssyncset.done $0x0  }
0x66: {  	[sflag:s28] =	ssyncadd.s32 $0xFFFFFF80  }
0x67: {  	_ =	swait.ge [sflag:s28], $0x4000  }
0x68: {  	[sflag:s28] =	ssyncset.done $0x0  }
0x69: {  	[sflag:s28] =	ssyncadd.s32 $0xFFFFC000  }
0x6a: {  	_ =	swait.ge [sflag:s28], $0x80  }
0x6b: {  	[sflag:s28] =	ssyncset.done $0x0  }
0x6c: {  	[sflag:s28] =	ssyncadd.s32 $0xFFFFFF80  }
0x6d: {  	_ =	swait.ge [sflag:s28], $0x4000  }
0x6e: {  	[sflag:s28] =	ssyncset.done $0x0  }
0x6f: {  	[sflag:s28] =	ssyncadd.s32 $0xFFFFC000  }
0x70: {  	_ =	swait.ge [sflag:s28], $0x80  }
0x71: {  	[sflag:s28] =	ssyncset.done $0x0  }
0x72: {  	[sflag:s28] =	ssyncadd.s32 $0xFFFFFF80  }
0x73: {  	_ =	swait.ge [sflag:s28], $0x4000  }
0x74: {  	[sflag:s28] =	ssyncset.done $0x0  }
0x75: {  	[sflag:s28] =	ssyncadd.s32 $0xFFFFC000  }
0x76: {  	_ =	swait.ge [sflag:s28], $0x80  }
0x77: {  	[sflag:s28] =	ssyncset.done $0x0  }
0x78: {  	[sflag:s28] =	ssyncadd.s32 $0xFFFFFF80  }
0x79: {  	_ =	swait.ge [sflag:s28], $0x4000  }
0x7a: {  	[sflag:s28] =	ssyncset.done $0x0  }
0x7b: {  	[sflag:s28] =	ssyncadd.s32 $0xFFFFC000  }
0x7c: {  	_ =	swait.ge [sflag:s28], $0x80  }
0x7d: {  	[sflag:s28] =	ssyncset.done $0x0  }
0x7e: {  	[sflag:s28] =	ssyncadd.s32 $0xFFFFFF80  }
0x7f: {  	[tilespmem:$0xA800] =	vst v1  }
0x80: {  	[tilespmem:$0xA810] =	vst v1  }
0x81: {  	[tilespmem:$0xA820] =	vst v1  }
0x82: {  	[tilespmem:$0xA830] =	vst v1  }
0x83: {  	[tilespmem:$0xA840] =	vst v1  }
0x84: {  	[tilespmem:$0xA850] =	vst v1  }
.Ltmp3:
0x85: {  	[tilespmem:$0xA860] =	vst v1;
	(pc) =	sbr.rel .LBB2_4-.Ltmp3, $4  }
0x86: {  	[tilespmem:$0xA870] =	vst v1  }
0x87: {  	[bflag:$0x0] =	sbarrier.arrive $0xFFFF  }
0x88: {  	s23 =	rddreg [dreg:$0x14]  }
0x89: {  	s12 =	simm.s32 $0x0;
	s15 =	simm.s32 $0x0;
	s22 =	rddreg [dreg:$0x13]  }
.LBB2_17:
0x8a: {  	s12 =	sadd.s32 $0x8, s12  }
0x8b: {  	p0 =	sne.s32 s12, $0x50  }
.Ltmp4:
0x8c: {  	_ = 	snop;
	(pc) =	sbr.rel @!p0 .LBB2_18-.Ltmp4, $2  }
0x8d: {  	_ =	sdelay $0x2  }
0x8e: {  	s15 =	sadd.s32 $0x1, s15;
	s22 =	sadd.s32 $0x80, s22;
	s23 =	sadd.s32 $0x80, s23  }
.LBB2_4:
0x8f: {  	s16 =	sadd.s32 $0xFFFFFFFB, s15  }
0x90: {  	p0 =	seq.s32 s12, $0x0;
	s17 =	smin.u32 s15, s16  }
0x91: {  	p1 =	sne.s32 @!p0 s17, $0x0  }
0x92: {  	p0 =	por p0, p1  }
.Ltmp5:
0x93: {  	_ = 	snop;
	(pc) =	sbr.rel @p0 .LBB2_6-.Ltmp5, $1  }
0x94: {  	_ =	sdelay $0x3  }
0x95: {  	[tilespmem:s5], [sflag:$0x8] =	stream.linear.gather [hbm4b:s22+s5], $0x1400, $0x38;
	[tilespmem:$0x1EB00] =	vst v63  }
0x96: {  	s16 =	simm.s32 $0x8  }
0x97: {  	_ =	swait.ge [sflag:s16], $0x1400  }
0x98: {  	[sflag:s16] =	ssyncset.done $0x0  }
0x99: {  	[sflag:s16] =	ssyncadd.s32 $0xFFFFEC00  }
0x9a: {  	[tilespmem:s24], [sflag:$0x8] =	stream.linear.gather [hbm4b:s23+s5], $0x1400, $0x38;
	[tilespmem:$0x1EB00] =	vst v63  }
.LBB2_8:
.Ltmp6:
0x9b: {  	(pc) =	sbr.rel .LBB2_9-.Ltmp6, $4  }
0x9c: {  	_ = 	snop  }
0x9d: {  	_ =	swait.ge [sflag:s16], $0x1400  }
0x9e: {  	[sflag:s16] =	ssyncset.done $0x0  }
0x9f: {  	[sflag:s16] =	ssyncadd.s32 $0xFFFFEC00  }
.LBB2_6:
0xa0: {  	p0 =	sne.s32 s12, $0x0  }
.Ltmp7:
0xa1: {  	_ = 	snop;
	(pc) =	sbr.rel @!p0 .LBB2_7-.Ltmp7, $1  }
0xa2: {  	_ =	sdelay $0x3  }
.LBB2_9:
0xa3: {  	s18 =	sadd.s32 s12, s21;
	p0 =	sne.s32 s17, $0x0  }
0xa4: {  	p1 =	sgt.u32 @!p0 s18, $0x9C3  }
0xa5: {  	p0 =	por p0, p1  }
.Ltmp8:
0xa6: {  	_ = 	snop;
	(pc) =	sbr.rel @p0 .LBB2_11-.Ltmp8, $3  }
0xa7: {  	_ =	sdelay $0x1  }
0xa8: {  	s16 =	sshll.u32 s17, $0x3  }
0xa9: {  	s16 =	ssub.s32 s18, s16  }
0xaa: {  	[tilespmem:s25], [sflag:$0x1] =	stream.indirect.gather [hbm4b:s1+s29], $0x80, s5, s29, $0xb8;
	[tilespmem:$0x1EB00] =	vst v63  }
.LBB2_12:
0xab: {  	s19 =	sshll.u32 s17, $0xA  }
0xac: {  	s19 =	sand.u32 $0x3FFFFC00, s19  }
0xad: {  	s20 =	sor.u32 $0x80, s19  }
0xae: {  	[tilespmem:s30], [sflag:$0x2] =	stream.indirect.gather [hbm4b:s1+s29], $0x80, s20, s29, $0xb8;
	[tilespmem:$0x1EB00] =	vst v63  }
0xaf: {  	_ =	swait.ge [sflag:s31], $0x4000  }
0xb0: {  	[sflag:s31] =	ssyncset.done $0x0  }
0xb1: {  	s14 =	sadd.s32 $0x1400, s19;
	[sflag:s31] =	ssyncadd.s32 $0xFFFFC000  }
0xb2: {  	[spmem:s2] =	stream.indirect.scatter.add.f32 [tilespmem:s25], [sflag:$0x3], $0x80, s14, s29, $0xb8;
	[tilespmem:$0x1EB00] =	vst v63  }
0xb3: {  	_ = 	snop  }
0xb4: {  	[spmem:s3] =	stream.indirect.scatter.add.f32 [tilespmem:s26], [sflag:$0x5], $0x1, s14, s29, $0xb8;
	[tilespmem:$0x1EB00] =	vst v63  }
0xb5: {  	_ =	swait.ge [sflag:s0], $0x4000  }
0xb6: {  	[sflag:s0] =	ssyncset.done $0x0  }
0xb7: {  	s13 =	sor.u32 $0x100, s19;
	[sflag:s0] =	ssyncadd.s32 $0xFFFFC000  }
0xb8: {  	[tilespmem:s25], [sflag:$0x1] =	stream.indirect.gather [hbm4b:s1+s29], $0x80, s13, s29, $0xb8;
	[tilespmem:$0x1EB00] =	vst v63  }
0xb9: {  	_ =	swait.ge [sflag:s4], $0x4000  }
0xba: {  	[sflag:s4] =	ssyncset.done $0x0  }
0xbb: {  	s14 =	sadd.s32 $0x1480, s19;
	[sflag:s4] =	ssyncadd.s32 $0xFFFFC000  }
0xbc: {  	[spmem:s2] =	stream.indirect.scatter.add.f32 [tilespmem:s30], [sflag:$0x4], $0x80, s14, s29, $0xb8;
	[tilespmem:$0x1EB00] =	vst v63  }
0xbd: {  	_ = 	snop  }
0xbe: {  	[spmem:s3] =	stream.indirect.scatter.add.f32 [tilespmem:s26], [sflag:$0x5], $0x1, s14, s29, $0xb8;
	[tilespmem:$0x1EB00] =	vst v63  }
0xbf: {  	_ =	swait.ge [sflag:s6], $0x4000  }
0xc0: {  	[sflag:s6] =	ssyncset.done $0x0  }
0xc1: {  	s13 =	sor.u32 $0x180, s19;
	[sflag:s6] =	ssyncadd.s32 $0xFFFFC000  }
0xc2: {  	[tilespmem:s30], [sflag:$0x2] =	stream.indirect.gather [hbm4b:s1+s29], $0x80, s13, s29, $0xb8;
	[tilespmem:$0x1EB00] =	vst v63  }
0xc3: {  	_ =	swait.ge [sflag:s31], $0x4000  }
0xc4: {  	[sflag:s31] =	ssyncset.done $0x0  }
0xc5: {  	s14 =	sadd.s32 $0x1500, s19;
	[sflag:s31] =	ssyncadd.s32 $0xFFFFC000  }
0xc6: {  	[spmem:s2] =	stream.indirect.scatter.add.f32 [tilespmem:s25], [sflag:$0x3], $0x80, s14, s29, $0xb8;
	[tilespmem:$0x1EB00] =	vst v63  }
0xc7: {  	_ = 	snop  }
0xc8: {  	[spmem:s3] =	stream.indirect.scatter.add.f32 [tilespmem:s26], [sflag:$0x5], $0x1, s14, s29, $0xb8;
	[tilespmem:$0x1EB00] =	vst v63  }
0xc9: {  	p0 =	sgt.u32 s18, $0x9BF;
	_ =	swait.ge [sflag:s0], $0x4000  }
0xca: {  	s20 =	sadd.s32 @!p0 $0x200, s19;
	[sflag:s0] =	ssyncset.done $0x0  }
0xcb: {  	s13 =	simm.s32 @!p0 $0x2800;
	s14 =	simm.s32 @!p0 $0x80;
	[sflag:s0] =	ssyncadd.s32 $0xFFFFC000  }
0xcc: {  	[tilespmem:s13], [sflag:$0x1] =	stream.indirect.gather @!p0 [hbm4b:s1+s14], $0x80, s20, s14, $0xb8;
	[tilespmem:$0x1EB00] =	vst v63  }
0xcd: {  	_ =	swait.ge [sflag:s4], $0x4000  }
0xce: {  	[sflag:s4] =	ssyncset.done $0x0  }
0xcf: {  	s20 =	sadd.s32 $0x1580, s19;
	[sflag:s4] =	ssyncadd.s32 $0xFFFFC000  }
0xd0: {  	[spmem:s2] =	stream.indirect.scatter.add.f32 [tilespmem:s30], [sflag:$0x4], $0x80, s20, s29, $0xb8;
	[tilespmem:$0x1EB00] =	vst v63  }
.Ltmp9:
0xd1: {  	_ = 	snop;
	(pc) =	sbr.rel @p0 .LBB2_14-.Ltmp9, $4  }
0xd2: {  	[spmem:s3] =	stream.indirect.scatter.add.f32 [tilespmem:s26], [sflag:$0x5], $0x1, s20, s29, $0xb8;
	[tilespmem:$0x1EB00] =	vst v63  }
0xd3: {  	_ =	swait.ge [sflag:s6], $0x4000  }
0xd4: {  	[sflag:s6] =	ssyncset.done $0x0  }
0xd5: {  	[sflag:s6] =	ssyncadd.s32 $0xFFFFC000  }
0xd6: {  	s13 =	sadd.s32 $0x280, s19  }
0xd7: {  	[tilespmem:s30], [sflag:$0x2] =	stream.indirect.gather [hbm4b:s1+s29], $0x80, s13, s29, $0xb8;
	[tilespmem:$0x1EB00] =	vst v63  }
0xd8: {  	_ =	swait.ge [sflag:s31], $0x4000  }
0xd9: {  	[sflag:s31] =	ssyncset.done $0x0  }
0xda: {  	s14 =	sadd.s32 $0x1600, s19;
	[sflag:s31] =	ssyncadd.s32 $0xFFFFC000  }
0xdb: {  	[spmem:s2] =	stream.indirect.scatter.add.f32 [tilespmem:s25], [sflag:$0x3], $0x80, s14, s29, $0xb8;
	[tilespmem:$0x1EB00] =	vst v63  }
0xdc: {  	_ = 	snop  }
0xdd: {  	[spmem:s3] =	stream.indirect.scatter.add.f32 [tilespmem:s26], [sflag:$0x5], $0x1, s14, s29, $0xb8;
	[tilespmem:$0x1EB00] =	vst v63  }
0xde: {  	_ =	swait.ge [sflag:s0], $0x4000  }
0xdf: {  	[sflag:s0] =	ssyncset.done $0x0  }
0xe0: {  	s20 =	sadd.s32 $0x300, s19;
	[sflag:s0] =	ssyncadd.s32 $0xFFFFC000  }
0xe1: {  	[tilespmem:s25], [sflag:$0x1] =	stream.indirect.gather [hbm4b:s1+s29], $0x80, s20, s29, $0xb8;
	[tilespmem:$0x1EB00] =	vst v63  }
0xe2: {  	_ =	swait.ge [sflag:s4], $0x4000  }
0xe3: {  	[sflag:s4] =	ssyncset.done $0x0  }
0xe4: {  	s14 =	sadd.s32 $0x1680, s19;
	[sflag:s4] =	ssyncadd.s32 $0xFFFFC000  }
0xe5: {  	[spmem:s2] =	stream.indirect.scatter.add.f32 [tilespmem:s30], [sflag:$0x4], $0x80, s14, s29, $0xb8;
	[tilespmem:$0x1EB00] =	vst v63  }
0xe6: {  	_ = 	snop  }
0xe7: {  	[spmem:s3] =	stream.indirect.scatter.add.f32 [tilespmem:s26], [sflag:$0x5], $0x1, s14, s29, $0xb8;
	[tilespmem:$0x1EB00] =	vst v63  }
0xe8: {  	_ =	swait.ge [sflag:s6], $0x4000  }
0xe9: {  	[sflag:s6] =	ssyncset.done $0x0  }
0xea: {  	s20 =	sadd.s32 $0x380, s19;
	[sflag:s6] =	ssyncadd.s32 $0xFFFFC000  }
0xeb: {  	[tilespmem:s30], [sflag:$0x2] =	stream.indirect.gather [hbm4b:s1+s29], $0x80, s20, s29, $0xb8;
	[tilespmem:$0x1EB00] =	vst v63  }
0xec: {  	_ =	swait.ge [sflag:s31], $0x4000  }
0xed: {  	[sflag:s31] =	ssyncset.done $0x0  }
0xee: {  	p0 =	sgt.u32 s17, $0x3;
	s14 =	sadd.s32 $0x1700, s19;
	[sflag:s31] =	ssyncadd.s32 $0xFFFFC000  }
0xef: {  	[spmem:s2] =	stream.indirect.scatter.add.f32 [tilespmem:s25], [sflag:$0x3], $0x80, s14, s29, $0xb8;
	[tilespmem:$0x1EB00] =	vst v63  }
0xf0: {  	p1 =	sgt.u32 @!p0 s18, $0x9BB  }
0xf1: {  	[spmem:s3] =	stream.indirect.scatter.add.f32 [tilespmem:s26], [sflag:$0x5], $0x1, s14, s29, $0xb8;
	[tilespmem:$0x1EB00] =	vst v63  }
0xf2: {  	p0 =	por p1, p0;
	_ =	swait.ge [sflag:s0], $0x4000  }
0xf3: {  	s13 =	sadd.s32 @!p0 $0x400, s19;
	[sflag:s0] =	ssyncset.done $0x0  }
0xf4: {  	s18 =	simm.s32 @!p0 $0x2800;
	s14 =	simm.s32 @!p0 $0x80;
	[sflag:s0] =	ssyncadd.s32 $0xFFFFC000  }
0xf5: {  	[tilespmem:s18], [sflag:$0x1] =	stream.indirect.gather @!p0 [hbm4b:s1+s14], $0x80, s13, s14, $0xb8;
	[tilespmem:$0x1EB00] =	vst v63  }
0xf6: {  	_ =	swait.ge [sflag:s4], $0x4000  }
0xf7: {  	p0 =	seq.s32 s17, $0x4;
	[sflag:s4] =	ssyncset.done $0x0  }
0xf8: {  	s20 =	sadd.s32 $0x1780, s19;
	p1 =	sgt.s32 @p0 s16, $0x9C3;
	[sflag:s4] =	ssyncadd.s32 $0xFFFFC000  }
0xf9: {  	[spmem:s2] =	stream.indirect.scatter.add.f32 [tilespmem:s30], [sflag:$0x4], $0x80, s20, s29, $0xb8;
	[tilespmem:$0x1EB00] =	vst v63  }
0xfa: {  	p1 =	por !p0, p1  }
0xfb: {  	[spmem:s3] =	stream.indirect.scatter.add.f32 [tilespmem:s26], [sflag:$0x5], $0x1, s20, s29, $0xb8;
	[tilespmem:$0x1EB00] =	vst v63  }
.Ltmp10:
0xfc: {  	_ = 	snop;
	(pc) =	sbr.rel @p1 .LBB2_17-.Ltmp10, $4  }
.Ltmp11:
0xfd: {  	s13 =	simm.s32 @p0 $0x4;
	(pc) =	sbr.rel @!p1 .LBB2_15-.Ltmp11, $4  }
0xfe: {  	_ =	swait.ge @p0 [sflag:s13], $0x4000  }
0xff: {  	[sflag:s13] =	ssyncset.done @p0 $0x0  }
0x100: {  	[sflag:s13] =	ssyncadd.s32 @p0 $0xFFFFC000  }
0x101: {  	_ = 	snop  }
.LBB2_14:
0x102: {  	p0 =	sne.s32 s17, $0x4  }
0x103: {  	p1 =	slt.s32 @!p0 s16, $0x9C4  }
0x104: {  	p0 =	por p0, !p1  }
.Ltmp12:
0x105: {  	_ = 	snop;
	(pc) =	sbr.rel @!p0 .LBB2_15-.Ltmp12, $4  }
.Ltmp13:
0x106: {  	_ = 	snop;
	(pc) =	sbr.rel @p0 .LBB2_17-.Ltmp13, $4  }
0x107: {  	_ = 	snop  }
0x108: {  	_ = 	snop  }
0x109: {  	_ = 	snop  }
0x10a: {  	_ = 	snop  }
.LBB2_11:
0x10b: {  	p0 =	seq.s32 s17, $0x0  }
0x10c: {  	p1 =	sgt.u32 @!p0 s18, $0x9C4  }
0x10d: {  	p0 =	por p1, p0;
	p1 =	sgt.u32 s18, $0x9C3  }
.Ltmp14:
0x10e: {  	_ = 	snop;
	(pc) =	sbr.rel @!p1 .LBB2_12-.Ltmp14, $4  }
0x10f: {  	s19 =	simm.s32 @!p0 $0x4  }
0x110: {  	_ =	swait.ge @!p0 [sflag:s19], $0x4000  }
0x111: {  	[sflag:s19] =	ssyncset.done @!p0 $0x0  }
0x112: {  	[sflag:s19] =	ssyncadd.s32 @!p0 $0xFFFFC000  }
0x113: {  	p0 =	sne.s32 s17, $0x4  }
0x114: {  	p1 =	slt.s32 @!p0 s16, $0x9C4  }
0x115: {  	p0 =	por p0, !p1  }
.Ltmp15:
0x116: {  	_ = 	snop;
	(pc) =	sbr.rel @p0 .LBB2_17-.Ltmp15, $1  }
0x117: {  	_ =	sdelay $0x3  }
.LBB2_15:
0x118: {  	_ =	swait.ge [sflag:s7], $0x80  }
0x119: {  	p0 =	sgt.s32 s16, $0x9C2;
	[sflag:s7] =	ssyncset.done $0x0  }
0x11a: {  	s13 =	simm.s32 @!p0 $0x5;
	[sflag:s7] =	ssyncadd.s32 $0xFFFFFF80  }
0x11b: {  	_ =	swait.ge @!p0 [sflag:s13], $0x80  }
0x11c: {  	[sflag:s13] =	ssyncset.done @!p0 $0x0  }
0x11d: {  	[sflag:s13] =	ssyncadd.s32 @!p0 $0xFFFFFF80  }
0x11e: {  	p1 =	sgt.s32 @!p0 s16, $0x9C0;
	_ =	swait.ge @!p0 [sflag:s13], $0x80  }
0x11f: {  	p1 =	por p0, p1;
	[sflag:s13] =	ssyncset.done @!p0 $0x0  }
0x120: {  	s14 =	sadd.s32 $0xFFFFF640, s16;
	[sflag:s13] =	ssyncadd.s32 @!p0 $0xFFFFFF80;
	s13 =	simm.s32 @!p1 $0x5  }
0x121: {  	p0 =	seq.s32 @!p1 s14, $0x0;
	_ =	swait.ge @!p1 [sflag:s13], $0x80  }
0x122: {  	p0 =	por p1, p0;
	[sflag:s13] =	ssyncset.done @!p1 $0x0  }
0x123: {  	[sflag:s13] =	ssyncadd.s32 @!p1 $0xFFFFFF80;
	s13 =	simm.s32 @!p0 $0x5  }
0x124: {  	p1 =	sgt.s32 @!p0 s16, $0x9BE;
	_ =	swait.ge @!p0 [sflag:s13], $0x80  }
0x125: {  	p1 =	por p0, p1;
	[sflag:s13] =	ssyncset.done @!p0 $0x0  }
0x126: {  	[sflag:s13] =	ssyncadd.s32 @!p0 $0xFFFFFF80;
	s13 =	simm.s32 @!p1 $0x5  }
0x127: {  	_ =	swait.ge @!p1 [sflag:s13], $0x80  }
0x128: {  	[sflag:s13] =	ssyncset.done @!p1 $0x0  }
0x129: {  	[sflag:s13] =	ssyncadd.s32 @!p1 $0xFFFFFF80  }
0x12a: {  	p0 =	sgt.s32 @!p1 s16, $0x9BC;
	_ =	swait.ge @!p1 [sflag:s13], $0x80  }
0x12b: {  	p0 =	por p1, p0;
	[sflag:s13] =	ssyncset.done @!p1 $0x0  }
0x12c: {  	[sflag:s13] =	ssyncadd.s32 @!p1 $0xFFFFFF80;
	s13 =	simm.s32 @!p0 $0x5  }
0x12d: {  	_ =	swait.ge @!p0 [sflag:s13], $0x80  }
0x12e: {  	[sflag:s13] =	ssyncset.done @!p0 $0x0  }
0x12f: {  	[sflag:s13] =	ssyncadd.s32 @!p0 $0xFFFFFF80  }
0x130: {  	_ =	swait.ge @!p0 [sflag:s13], $0x80  }
0x131: {  	[sflag:s13] =	ssyncset.done @!p0 $0x0  }
0x132: {  	[sflag:s13] =	ssyncadd.s32 @!p0 $0xFFFFFF80  }
0x133: {  	p1 =	sgt.s32 @!p0 s16, $0x9B9;
	_ =	swait.ge @!p0 [sflag:s13], $0x80  }
0x134: {  	p1 =	por p0, p1;
	[sflag:s13] =	ssyncset.done @!p0 $0x0  }
0x135: {  	[sflag:s13] =	ssyncadd.s32 @!p0 $0xFFFFFF80;
	s13 =	simm.s32 @!p1 $0x5  }
0x136: {  	_ =	swait.ge @!p1 [sflag:s13], $0x80  }
0x137: {  	[sflag:s13] =	ssyncset.done @!p1 $0x0  }
0x138: {  	[sflag:s13] =	ssyncadd.s32 @!p1 $0xFFFFFF80  }
0x139: {  	p0 =	sgt.s32 @!p1 s16, $0x9B7;
	_ =	swait.ge @!p1 [sflag:s13], $0x80  }
0x13a: {  	p0 =	por p1, p0;
	[sflag:s13] =	ssyncset.done @!p1 $0x0  }
0x13b: {  	[sflag:s13] =	ssyncadd.s32 @!p1 $0xFFFFFF80;
	s13 =	simm.s32 @!p0 $0x5  }
0x13c: {  	_ =	swait.ge @!p0 [sflag:s13], $0x80  }
0x13d: {  	[sflag:s13] =	ssyncset.done @!p0 $0x0  }
0x13e: {  	[sflag:s13] =	ssyncadd.s32 @!p0 $0xFFFFFF80  }
0x13f: {  	p1 =	sgt.s32 @!p0 s16, $0x9B5;
	_ =	swait.ge @!p0 [sflag:s13], $0x80  }
0x140: {  	p1 =	por p0, p1;
	[sflag:s13] =	ssyncset.done @!p0 $0x0  }
0x141: {  	[sflag:s13] =	ssyncadd.s32 @!p0 $0xFFFFFF80;
	s13 =	simm.s32 @!p1 $0x5  }
0x142: {  	_ =	swait.ge @!p1 [sflag:s13], $0x80  }
0x143: {  	[sflag:s13] =	ssyncset.done @!p1 $0x0  }
0x144: {  	[sflag:s13] =	ssyncadd.s32 @!p1 $0xFFFFFF80  }
0x145: {  	p0 =	sgt.s32 @!p1 s16, $0x9B3;
	_ =	swait.ge @!p1 [sflag:s13], $0x80  }
0x146: {  	p0 =	por p1, p0;
	[sflag:s13] =	ssyncset.done @!p1 $0x0  }
0x147: {  	[sflag:s13] =	ssyncadd.s32 @!p1 $0xFFFFFF80;
	s13 =	simm.s32 @!p0 $0x5  }
0x148: {  	_ =	swait.ge @!p0 [sflag:s13], $0x80  }
0x149: {  	[sflag:s13] =	ssyncset.done @!p0 $0x0  }
0x14a: {  	[sflag:s13] =	ssyncadd.s32 @!p0 $0xFFFFFF80  }
0x14b: {  	p1 =	sgt.s32 @!p0 s16, $0x9B1;
	_ =	swait.ge @!p0 [sflag:s13], $0x80  }
0x14c: {  	p1 =	por p0, p1;
	[sflag:s13] =	ssyncset.done @!p0 $0x0  }
0x14d: {  	[sflag:s13] =	ssyncadd.s32 @!p0 $0xFFFFFF80;
	s13 =	simm.s32 @!p1 $0x5  }
0x14e: {  	_ =	swait.ge @!p1 [sflag:s13], $0x80  }
0x14f: {  	[sflag:s13] =	ssyncset.done @!p1 $0x0  }
0x150: {  	[sflag:s13] =	ssyncadd.s32 @!p1 $0xFFFFFF80  }
0x151: {  	p0 =	sgt.s32 @!p1 s16, $0x9AF;
	_ =	swait.ge @!p1 [sflag:s13], $0x80  }
0x152: {  	p0 =	por p1, p0;
	[sflag:s13] =	ssyncset.done @!p1 $0x0  }
0x153: {  	[sflag:s13] =	ssyncadd.s32 @!p1 $0xFFFFFF80;
	s13 =	simm.s32 @!p0 $0x5  }
0x154: {  	_ =	swait.ge @!p0 [sflag:s13], $0x80  }
0x155: {  	[sflag:s13] =	ssyncset.done @!p0 $0x0  }
0x156: {  	[sflag:s13] =	ssyncadd.s32 @!p0 $0xFFFFFF80  }
0x157: {  	p1 =	sgt.s32 @!p0 s16, $0x9AD;
	_ =	swait.ge @!p0 [sflag:s13], $0x80  }
0x158: {  	p1 =	por p0, p1;
	[sflag:s13] =	ssyncset.done @!p0 $0x0  }
0x159: {  	[sflag:s13] =	ssyncadd.s32 @!p0 $0xFFFFFF80;
	s13 =	simm.s32 @!p1 $0x5  }
0x15a: {  	_ =	swait.ge @!p1 [sflag:s13], $0x80  }
0x15b: {  	[sflag:s13] =	ssyncset.done @!p1 $0x0  }
0x15c: {  	[sflag:s13] =	ssyncadd.s32 @!p1 $0xFFFFFF80  }
0x15d: {  	p0 =	sgt.s32 @!p1 s16, $0x9AB;
	_ =	swait.ge @!p1 [sflag:s13], $0x80  }
0x15e: {  	p0 =	por p1, p0;
	[sflag:s13] =	ssyncset.done @!p1 $0x0  }
0x15f: {  	[sflag:s13] =	ssyncadd.s32 @!p1 $0xFFFFFF80;
	s13 =	simm.s32 @!p0 $0x5  }
0x160: {  	_ =	swait.ge @!p0 [sflag:s13], $0x80  }
0x161: {  	[sflag:s13] =	ssyncset.done @!p0 $0x0  }
0x162: {  	[sflag:s13] =	ssyncadd.s32 @!p0 $0xFFFFFF80  }
0x163: {  	p1 =	sgt.s32 @!p0 s16, $0x9A9;
	_ =	swait.ge @!p0 [sflag:s13], $0x80  }
0x164: {  	p1 =	por p0, p1;
	[sflag:s13] =	ssyncset.done @!p0 $0x0  }
0x165: {  	[sflag:s13] =	ssyncadd.s32 @!p0 $0xFFFFFF80;
	s13 =	simm.s32 @!p1 $0x5  }
0x166: {  	_ =	swait.ge @!p1 [sflag:s13], $0x80  }
0x167: {  	[sflag:s13] =	ssyncset.done @!p1 $0x0  }
0x168: {  	[sflag:s13] =	ssyncadd.s32 @!p1 $0xFFFFFF80  }
0x169: {  	p0 =	sgt.s32 @!p1 s16, $0x9A7;
	_ =	swait.ge @!p1 [sflag:s13], $0x80  }
0x16a: {  	p0 =	por p1, p0;
	[sflag:s13] =	ssyncset.done @!p1 $0x0  }
0x16b: {  	[sflag:s13] =	ssyncadd.s32 @!p1 $0xFFFFFF80;
	s13 =	simm.s32 @!p0 $0x5;
	p1 =	sgt.s32 @!p0 s16, $0x9A5  }
0x16c: {  	_ =	swait.ge @!p0 [sflag:s13], $0x80;
	p1 =	por p0, p1  }
.Ltmp16:
0x16d: {  	[sflag:s13] =	ssyncset.done @!p0 $0x0;
	(pc) =	sbr.rel @p1 .LBB2_17-.Ltmp16, $4  }
0x16e: {  	[sflag:s13] =	ssyncadd.s32 @!p0 $0xFFFFFF80  }
0x16f: {  	_ =	swait.ge @!p0 [sflag:s13], $0x80  }
0x170: {  	[sflag:s13] =	ssyncset.done @!p0 $0x0  }
0x171: {  	[sflag:s13] =	ssyncadd.s32 @!p0 $0xFFFFFF80  }
0x172: {  	_ =	swait.ge [sflag:s7], $0x80  }
0x173: {  	[sflag:s7] =	ssyncset.done $0x0  }
0x174: {  	[sflag:s7] =	ssyncadd.s32 $0xFFFFFF80  }
0x175: {  	_ =	swait.ge [sflag:s7], $0x80  }
0x176: {  	p0 =	sgt.s32 s16, $0x9A3;
	[sflag:s7] =	ssyncset.done $0x0  }
0x177: {  	s13 =	simm.s32 @!p0 $0x5;
	[sflag:s7] =	ssyncadd.s32 $0xFFFFFF80  }
0x178: {  	_ =	swait.ge @!p0 [sflag:s13], $0x80  }
0x179: {  	[sflag:s13] =	ssyncset.done @!p0 $0x0  }
0x17a: {  	[sflag:s13] =	ssyncadd.s32 @!p0 $0xFFFFFF80  }
0x17b: {  	p1 =	sgt.s32 @!p0 s16, $0x9A1;
	_ =	swait.ge @!p0 [sflag:s13], $0x80  }
0x17c: {  	p2 =	por p1, p0;
	[sflag:s13] =	ssyncset.done @!p0 $0x0  }
0x17d: {  	[sflag:s13] =	ssyncadd.s32 @!p0 $0xFFFFFF80;
	s13 =	simm.s32 @!p2 $0x5  }
0x17e: {  	_ =	swait.ge @!p2 [sflag:s13], $0x80  }
0x17f: {  	[sflag:s13] =	ssyncset.done @!p2 $0x0  }
0x180: {  	p3 =	sgt.s32 @!p2 s16, $0x99F;
	[sflag:s13] =	ssyncadd.s32 @!p2 $0xFFFFFF80  }
0x181: {  	p4 =	por @!p0 p3, p1;
	_ =	swait.ge @!p2 [sflag:s13], $0x80  }
0x182: {  	p4 =	por p4, p0;
	[sflag:s13] =	ssyncset.done @!p2 $0x0  }
0x183: {  	[sflag:s13] =	ssyncadd.s32 @!p2 $0xFFFFFF80;
	s13 =	simm.s32 @!p4 $0x5  }
0x184: {  	_ =	swait.ge @!p4 [sflag:s13], $0x80  }
0x185: {  	p5 =	sgt.s32 @!p4 s16, $0x99D;
	[sflag:s13] =	ssyncset.done @!p4 $0x0  }
0x186: {  	p2 =	por @!p2 p5, p3;
	[sflag:s13] =	ssyncadd.s32 @!p4 $0xFFFFFF80  }
0x187: {  	p1 =	por @!p0 p2, p1;
	_ =	swait.ge @!p4 [sflag:s13], $0x80  }
0x188: {  	p0 =	por p1, p0;
	[sflag:s13] =	ssyncset.done @!p4 $0x0  }
0x189: {  	[sflag:s13] =	ssyncadd.s32 @!p4 $0xFFFFFF80;
	s13 =	simm.s32 @!p0 $0x5  }
0x18a: {  	_ =	swait.ge @!p0 [sflag:s13], $0x80  }
.Ltmp17:
0x18b: {  	[sflag:s13] =	ssyncset.done @!p0 $0x0;
	(pc) =	sbr.rel .LBB2_17-.Ltmp17, $4  }
0x18c: {  	[sflag:s13] =	ssyncadd.s32 @!p0 $0xFFFFFF80  }
0x18d: {  	_ =	swait.ge @!p0 [sflag:s13], $0x80  }
0x18e: {  	[sflag:s13] =	ssyncset.done @!p0 $0x0  }
0x18f: {  	[sflag:s13] =	ssyncadd.s32 @!p0 $0xFFFFFF80  }
.LBB2_7:
.Ltmp18:
0x190: {  	(pc) =	sbr.rel .LBB2_8-.Ltmp18, $4  }
0x191: {  	s16 =	simm.s32 $0x7  }
0x192: {  	_ =	swait.ge [sflag:s16], $0x1400  }
0x193: {  	[sflag:s16] =	ssyncset.done $0x0  }
0x194: {  	[sflag:s16] =	ssyncadd.s32 $0xFFFFEC00  }
.LBB2_19:
0x195: {  	_ =	sfence.sel $0x180000  }
0x196: {  	[bflag:$0x0] =	sbarrier.arrive $0xFFFF  }
0x197: {  	_ =	strace $0x90000047  }
0x198: {  	s0 =	stileid.u32;
	[bflag:$0x2] =	sbarrier.arrive $0xFFFF  }
0x199: {  	p0 =	sne.s32 s0, $0x0;
	s0 =	rddreg [dreg:$0x5]  }
0x19a: {  	s0 =	sadd.s32 @!p0 $0x100000, s0  }
0x19b: {  	[sflag:s0] =	ssyncadd.tile.s32 @!p0 $0x1;
	_ =	shalt  }
.Lfunc_end2:
_tile_overlayer_lowered:
.L_overlay_start_2:
0x19c: {  	(tag) =	ssettag $0x2  }
0x19d: {  	s0 =	rddreg [dreg:$0x0];
	s2 =	stileid.u32  }
0x19e: {  	s1 =	rddreg [dreg:$0x1];
	p0 =	sne.s32 s2, $0x0  }
0x19f: {  	s3 =	rddreg [dreg:$0x2];
	[bflag:$0x3] =	sbarrier.arrive $0xFFFF;
	s2 =	simm.s32 @!p0 $0x1C08  }
0x1a0: {  	[timem:s3], [sflag:s2] =	dma.local @!p0 [hbm:s0], s1  }
0x1a1: {  	s0 =	simm.s32 @!p0 $0x8  }
0x1a2: {  	_ =	swait.ge @!p0 [sflag:s0], s1  }
0x1a3: {  	s1 =	ssub.s32 @!p0 $0x0, s1;
	[sflag:s0] =	ssyncset.done @!p0 $0x0  }
0x1a4: {  	[sflag:s0] =	ssyncadd.s32 @!p0 s1  }
0x1a5: {  	[bflag:$0x3] =	sbarrier.arrive $0xFFFF  }
0x1a6: {  	_ =	shalt  }

</sc_bundles>
